<compile_context>
chip_gen: v7x
topology: tpu7x:2x2x1
jax: 0.10.2.dev20260603
libtpu: 0.0.44.dev20260713+nightly
codegen_flags: <defaults>
</compile_context>

<pallas_src>
import numpy as np
import jax
import jax.numpy as jnp
from jax import lax
from jax.experimental import pallas as pl
from jax.experimental.pallas import tpu as pltpu


def _elu(v):
    return jnp.where(v > 0, v, jnp.exp(jnp.minimum(v, 0.0)) - 1.0)




def _mm_kernel(w_ref, x_ref, o_ref, *, act):
    y = jax.lax.dot_general(
        w_ref[...], x_ref[...], (((1,), (0,)), ((), ())),
        preferred_element_type=jnp.float32)
    o_ref[...] = _elu(y) if act else y


def _mm_act(w, xcols, act, nb=2048):
    co, k = w.shape
    k2, n = xcols.shape
    assert k == k2, (w.shape, xcols.shape)
    if n <= 4096:
        return pl.pallas_call(
            lambda wr, xr, orf: _mm_kernel(wr, xr, orf, act=act),
            out_shape=jax.ShapeDtypeStruct((co, n), jnp.float32),
        )(w, xcols)
    npad = (-n) % nb
    if npad:
        xcols = jnp.pad(xcols, ((0, 0), (0, npad)))
    ng = (n + npad) // nb
    out = pl.pallas_call(
        lambda wr, xr, orf: _mm_kernel(wr, xr, orf, act=act),
        grid=(ng,),
        in_specs=[
            pl.BlockSpec((co, k), lambda i: (0, 0)),
            pl.BlockSpec((k, nb), lambda i: (0, i)),
        ],
        out_specs=pl.BlockSpec((co, nb), lambda i: (0, i)),
        out_shape=jax.ShapeDtypeStruct((co, n + npad), jnp.float32),
    )(w, xcols)
    return out[:, :n] if npad else out




def _conv_layer(h, w, s, act):
    b, ci, t = h.shape
    co, ci2, k = w.shape
    to = -(-t // s)
    pad_total = max((to - 1) * s + k - t, 0)
    pad_lo = pad_total // 2
    xp = jnp.pad(h, ((0, 0), (0, 0), (pad_lo, pad_total - pad_lo)))
    cols = jnp.stack([xp[:, :, i::s][:, :, :to] for i in range(k)], axis=1)
    xf = cols.reshape(b, k * ci, to).transpose(1, 0, 2).reshape(k * ci, b * to)
    wf = w.transpose(0, 2, 1).reshape(co, k * ci)
    kk = ci * k
    if kk % 8:
        kp = (-kk) % 8
        wf = jnp.pad(wf, ((0, 0), (0, kp)))
        xf = jnp.pad(xf, ((0, kp), (0, 0)))
    cop = 0
    if co % 8:
        cop = (-co) % 8
        wf = jnp.pad(wf, ((0, cop), (0, 0)))
    y = _mm_act(wf, xf, False)
    if cop:
        y = y[:co]
    y = y.reshape(co, b, to).transpose(1, 0, 2)
    return jax.nn.elu(y) if act else y




def _upconv_layer(h, w, s, act):
    b, ci, m = h.shape
    co, ci2, k = w.shape
    pad_lo = (k + s - 2) // 2
    wparts = []
    for p in range(s):
        i0 = (pad_lo - p) % s
        e = -((pad_lo - p) // s)
        row = [jnp.zeros((co, ci), jnp.float32)] * 3
        for j in (0, 1):
            i = i0 + j * s
            o = e + j
            row = list(row)
            row[o + 1] = w[:, :, i]
        wparts.append(jnp.concatenate(row, axis=1))
    wbig = jnp.concatenate(wparts, axis=0)
    xp = jnp.pad(h, ((0, 0), (0, 0), (1, 1)))
    x3 = jnp.stack([xp[:, :, 0:m], xp[:, :, 1:m + 1], xp[:, :, 2:m + 2]],
                   axis=1).reshape(b, 3 * ci, m)
    xf = x3.transpose(1, 0, 2).reshape(3 * ci, b * m)
    y = _mm_act(wbig, xf, act)
    out = y.reshape(s, co, b, m).transpose(2, 1, 3, 0).reshape(b, co, m * s)
    return out




def _rvq_kernel(z_ref, cb_ref, cb2_ref, acc_ref, r_ref, d_ref):
    q = pl.program_id(0)

    @pl.when(q == 0)
    def _():
        r_ref[...] = z_ref[...]
        acc_ref[...] = jnp.zeros_like(acc_ref)

    r = r_ref[...]
    cb = cb_ref[0]
    cb2 = cb2_ref[0]
    r2 = jnp.sum(r * r, axis=1, keepdims=True)
    scores = jax.lax.dot_general(
        r, cb, (((1,), (1,)), ((), ())),
        preferred_element_type=jnp.float32)
    d_ref[...] = (r2 - 2.0 * scores) + cb2
    d = d_ref[...]
    dmin = jnp.min(d, axis=1, keepdims=True)
    iota = jax.lax.broadcasted_iota(jnp.int32, d.shape, 1)
    idx = jnp.min(jnp.where(d <= dmin, iota, d.shape[1]), axis=1,
                  keepdims=True)
    d_ref[...] = (iota == idx).astype(jnp.float32)
    quant = jax.lax.dot_general(
        d_ref[...], cb_ref[0], (((1,), (0,)), ((), ())),
        precision=jax.lax.Precision.HIGHEST,
        preferred_element_type=jnp.float32)
    r_ref[...] = r - quant
    acc_ref[...] = acc_ref[...] + quant


def _rvq(zrows, codebooks):
    r, d = zrows.shape
    nq, nc, d2 = codebooks.shape
    cb2 = jnp.sum(codebooks * codebooks, axis=2)[:, None, :]
    return pl.pallas_call(
        _rvq_kernel,
        grid=(nq,),
        in_specs=[
            pl.BlockSpec((r, d), lambda q: (0, 0)),
            pl.BlockSpec((1, nc, d2), lambda q: (q, 0, 0)),
            pl.BlockSpec((1, 1, nc), lambda q: (q, 0, 0)),
        ],
        out_specs=pl.BlockSpec((r, d), lambda q: (0, 0)),
        out_shape=jax.ShapeDtypeStruct((r, d), jnp.float32),
        scratch_shapes=[
            pltpu.VMEM((r, d), jnp.float32),
            pltpu.VMEM((r, nc), jnp.float32),
        ],
    )(zrows, codebooks, cb2)




def kernel(x, enc_w0, enc_w1, enc_w2, enc_w3, enc_w4, enc_wz, codebooks,
           dec_w0, dec_w1, dec_w2, dec_w3, dec_w4, dec_wo):
    b = x.shape[0]
    def _xconv(h, w, s):
        return lax.conv_general_dilated(h, w, (s,), 'SAME',
                                        dimension_numbers=('NCH', 'OIH', 'NCH'))
    h = jax.nn.elu(_xconv(x, enc_w0, 1))
    h = jax.nn.elu(_xconv(h, enc_w1, 2))
    h = jax.nn.elu(_xconv(h, enc_w2, 4))
    h = jax.nn.elu(_xconv(h, enc_w3, 5))
    h = jax.nn.elu(_xconv(h, enc_w4, 8))
    z = _xconv(h, enc_wz, 1)
    d = z.shape[1]
    t = z.shape[2]
    zrows = z.transpose(0, 2, 1).reshape(b * t, d)
    acc = _rvq(zrows, codebooks)
    zq = acc.reshape(b, t, d).transpose(0, 2, 1)
    g = _conv_layer(zq, dec_w0, 1, True)
    g = _upconv_layer(g, dec_w1, 8, True)
    g = _upconv_layer(g, dec_w2, 5, True)
    g = _upconv_layer(g, dec_w3, 4, True)
    g = _upconv_layer(g, dec_w4, 2, True)
    out = _conv_layer(g, dec_wo, 1, False)
    return out

# --- scband reference (transcript-rebuilt; emitter-appended) ---
"""Pipeline reference for scband-wrapped-encodec-21715354648903 (READ-ONLY COPY).

The authoritative reference and input builder live on the scoring server;
editing this copy changes nothing except your own understanding.
"""

import jax, jax.numpy as jnp
import numpy as np
from jax import lax


def _conv(x, w, stride=1):
    return lax.conv_general_dilated(x, w, (stride,), 'SAME', dimension_numbers=('NCH', 'OIH', 'NCH'))


def _upconv(x, w, stride):
    k = w.shape[2]
    pad = k + stride - 2
    return lax.conv_general_dilated(x, w, (1,), [(pad // 2, pad - pad // 2)], lhs_dilation=(stride,), dimension_numbers=('NCH', 'OIH', 'NCH'))


def setup_inputs(seed: int = 0) -> dict:
    key = jax.random.key(seed)
    ks = [jax.random.fold_in(key, i) for i in range(20)]

    def w(k, shape, fan_in):
        return jax.random.normal(k, shape, dtype=jnp.float32) * (1.0 / np.sqrt(fan_in))

    x = jax.random.normal(ks[0], (4, 1, 24000), dtype=jnp.float32)
    return {
        'x': x,
        'enc_w0': w(ks[1], (32, 1, 7), 7),
        'enc_w1': w(ks[2], (64, 32, 4), 32 * 4),
        'enc_w2': w(ks[3], (128, 64, 8), 64 * 8),
        'enc_w3': w(ks[4], (256, 128, 10), 128 * 10),
        'enc_w4': w(ks[5], (512, 256, 16), 256 * 16),
        'enc_wz': w(ks[6], (128, 512, 3), 512 * 3),
        'codebooks': jax.random.normal(ks[7], (32, 1024, 128), dtype=jnp.float32),
        'dec_w0': w(ks[8], (512, 128, 7), 128 * 7),
        'dec_w1': w(ks[9], (256, 512, 16), 512 * 16),
        'dec_w2': w(ks[10], (128, 256, 10), 256 * 10),
        'dec_w3': w(ks[11], (64, 128, 8), 128 * 8),
        'dec_w4': w(ks[12], (32, 64, 4), 64 * 4),
        'dec_wo': w(ks[13], (1, 32, 7), 32 * 7),
    }


def reference(x, enc_w0, enc_w1, enc_w2, enc_w3, enc_w4, enc_wz, codebooks, dec_w0, dec_w1, dec_w2, dec_w3, dec_w4, dec_wo):
    # --- encoder: SEANet-style strided conv stack, total hop 2*4*5*8 = 320 ---
    h = jax.nn.elu(_conv(x, enc_w0, 1))
    h = jax.nn.elu(_conv(h, enc_w1, 2))
    h = jax.nn.elu(_conv(h, enc_w2, 4))
    h = jax.nn.elu(_conv(h, enc_w3, 5))
    h = jax.nn.elu(_conv(h, enc_w4, 8))
    z = _conv(h, enc_wz, 1)  # [B, 128, T/320]
    B, D, T = z.shape
    # --- residual vector quantization: n_q=32 (24 kbps), 1024 codes, dim 128 ---
    # encode to integer codes then quantizer.decode(codes) == sum of code embeddings
    r = jnp.transpose(z, (0, 2, 1)).reshape(-1, D)
    acc = jnp.zeros_like(r)
    n_q = codebooks.shape[0]
    for q in range(n_q):
        cb = codebooks[q]
        d2 = jnp.sum(r * r, axis=1, keepdims=True) - 2.0 * (r @ cb.T) + jnp.sum(cb * cb, axis=1)[None, :]
        idx = jnp.argmin(d2, axis=1)
        quant = jnp.take(cb, idx, axis=0)
        acc = acc + quant
        r = r - quant
    zq = jnp.transpose(acc.reshape(B, T, D), (0, 2, 1))  # [B, 128, T/320]
    # --- decoder: mirrored transposed-conv stack back to waveform ---
    g = jax.nn.elu(_conv(zq, dec_w0, 1))
    g = jax.nn.elu(_upconv(g, dec_w1, 8))
    g = jax.nn.elu(_upconv(g, dec_w2, 5))
    g = jax.nn.elu(_upconv(g, dec_w3, 4))
    g = jax.nn.elu(_upconv(g, dec_w4, 2))
    out = _conv(g, dec_wo, 1)  # [B, 1, T]
    return out

if __name__ == "__main__":
    import jax
    _d = setup_inputs()
    print(jax.jit(kernel)(*tuple(_d.values())))

</pallas_src>

<mosaic_0001>
module attributes {stable_mosaic.version = 14 : i64} {
  func.func @_rvq_kernel(%arg0: i32, %arg1: memref<300x128xf32, #tpu.memory_space<vmem>>, %arg2: memref<1x1024x128xf32, #tpu.memory_space<vmem>>, %arg3: memref<1x1x1024xf32, #tpu.memory_space<vmem>>, %arg4: memref<300x128xf32, #tpu.memory_space<vmem>>, %arg5: memref<300x128xf32, #tpu.memory_space<vmem>>, %arg6: memref<300x1024xf32, #tpu.memory_space<vmem>>) attributes {dimension_semantics = [#tpu.dimension_semantics<arbitrary>], iteration_bounds = array<i64: 32>, scalar_prefetch = 0 : i64, scratch_operands = 2 : i64, tpu.core_type = #tpu.core_type<tc>, window_params = [{pipeline_mode = #tpu.pipeline_mode<synchronous>, transform_indices = @transform_0, window_bounds = array<i64: 300, 128>}, {transform_indices = @transform_1, window_bounds = array<i64: 1, 1024, 128>}, {transform_indices = @transform_2, window_bounds = array<i64: 1, 1, 1024>}, {pipeline_mode = #tpu.pipeline_mode<synchronous>, transform_indices = @transform_3, window_bounds = array<i64: 300, 128>}]} {
    %eq3A = arith.constant 0 : i32
    %eq3A_0 = arith.cmpi eq, %arg0, %eq3A : i32
    %convert_element_type3A = arith.extui %eq3A_0 : i1 to i32
    %cond3A = arith.constant 0 : i32
    %cond3A_1 = arith.cmpi ne, %convert_element_type3A, %cond3A : i32
    scf.if %cond3A_1 {
      %get3A_61 = arith.constant 0 : index
      %get3A_62 = arith.constant 0 : index
      %get3A_63 = vector.load %arg1[%get3A_61, %get3A_62] : memref<300x128xf32, #tpu.memory_space<vmem>>, vector<300x128xf32>
      %swap3A_64 = arith.constant 0 : index
      %swap3A_65 = arith.constant 0 : index
      %swap3A_66 = vector.load %arg5[%swap3A_64, %swap3A_65] : memref<300x128xf32, #tpu.memory_space<vmem>>, vector<300x128xf32>
      tpu.vector_store %arg5[%swap3A_64, %swap3A_65], %get3A_63 {strides = array<i32>} : memref<300x128xf32, #tpu.memory_space<vmem>>, vector<300x128xf32>,
      %broadcast_in_dim3A_67 = arith.constant 0.000000e+00 : f32
      %broadcast_in_dim3A_68 = vector.broadcast %broadcast_in_dim3A_67 : f32 to vector<300x128xf32>
      %swap3A_69 = arith.constant 0 : index
      %swap3A_70 = arith.constant 0 : index
      %swap3A_71 = vector.load %arg4[%swap3A_69, %swap3A_70] : memref<300x128xf32, #tpu.memory_space<vmem>>, vector<300x128xf32>
      tpu.vector_store %arg4[%swap3A_69, %swap3A_70], %broadcast_in_dim3A_68 {strides = array<i32>} : memref<300x128xf32, #tpu.memory_space<vmem>>, vector<300x128xf32>,
    } else {
    }
    %get3A = arith.constant 0 : index
    %get3A_2 = arith.constant 0 : index
    %get3A_3 = vector.load %arg5[%get3A, %get3A_2] : memref<300x128xf32, #tpu.memory_space<vmem>>, vector<300x128xf32>
    %get3A_4 = arith.constant 0 : index
    %get3A_5 = arith.constant 0 : index
    %get3A_6 = arith.constant 0 : index
    %get3A_7 = vector.load %arg2[%get3A_4, %get3A_5, %get3A_6] : memref<1x1024x128xf32, #tpu.memory_space<vmem>>, vector<1x1024x128xf32>
    %get3A_8 = vector.shape_cast %get3A_7 : vector<1x1024x128xf32> to vector<1024x128xf32>
    %get3A_9 = arith.constant 0 : index
    %get3A_10 = arith.constant 0 : index
    %get3A_11 = arith.constant 0 : index
    %get3A_12 = vector.load %arg3[%get3A_9, %get3A_10, %get3A_11] : memref<1x1x1024xf32, #tpu.memory_space<vmem>>, vector<1x1x1024xf32>
    %get3A_13 = vector.shape_cast %get3A_12 : vector<1x1x1024xf32> to vector<1x1024xf32>
    %mul3A = arith.mulf %get3A_3, %get3A_3 : vector<300x128xf32>
    %reduce_sum3A = arith.constant dense<0.000000e+00> : vector<300xf32>
    %reduce_sum3A_14 = vector.multi_reduction <add>, %mul3A, %reduce_sum3A [1] : vector<300x128xf32> to vector<300xf32>
    %broadcast_in_dim3A = vector.shape_cast %reduce_sum3A_14 : vector<300xf32> to vector<300x1xf32>
    %dot_general3A = arith.constant dense<0.000000e+00> : vector<300x1024xf32>
    %dot_general3A_15 = tpu.matmul %get3A_3, %get3A_8, %dot_general3A {dimension_numbers = #tpu.dot_dimension_numbers<[1], [1], [0], [0], [0, 0, 1, 0], [], []>, transpose_lhs_hint = false} : vector<300x128xf32>, vector<1024x128xf32>, vector<300x1024xf32> -> vector<300x1024xf32>
    %mul3A_16 = arith.constant 2.000000e+00 : f32
    %mul3A_17 = vector.broadcast %mul3A_16 : f32 to vector<300x1024xf32>
    %mul3A_18 = arith.mulf %mul3A_17, %dot_general3A_15 : vector<300x1024xf32>
    %sub3A = vector.broadcast %broadcast_in_dim3A : vector<300x1xf32> to vector<300x1024xf32>
    %sub3A_19 = arith.subf %sub3A, %mul3A_18 : vector<300x1024xf32>
    %add3A = vector.broadcast %get3A_13 : vector<1x1024xf32> to vector<300x1024xf32>
    %add3A_20 = arith.addf %sub3A_19, %add3A : vector<300x1024xf32>
    %swap3A = arith.constant 0 : index
    %swap3A_21 = arith.constant 0 : index
    %swap3A_22 = vector.load %arg6[%swap3A, %swap3A_21] : memref<300x1024xf32, #tpu.memory_space<vmem>>, vector<300x1024xf32>
    tpu.vector_store %arg6[%swap3A, %swap3A_21], %add3A_20 {strides = array<i32>} : memref<300x1024xf32, #tpu.memory_space<vmem>>, vector<300x1024xf32>,
    %get3A_23 = arith.constant 0 : index
    %get3A_24 = arith.constant 0 : index
    %get3A_25 = vector.load %arg6[%get3A_23, %get3A_24] : memref<300x1024xf32, #tpu.memory_space<vmem>>, vector<300x1024xf32>
    %reduce_min3A = arith.constant dense<0x7F800000> : vector<300xf32>
    %reduce_min3A_26 = vector.multi_reduction <minimumf>, %get3A_25, %reduce_min3A [1] : vector<300x1024xf32> to vector<300xf32>
    %broadcast_in_dim3A_27 = vector.shape_cast %reduce_min3A_26 : vector<300xf32> to vector<300x1xf32>
    %iota3A = tpu.iota {dimensions = array<i32: 1>} : vector<300x1024xi32>
    %le3A = vector.broadcast %broadcast_in_dim3A_27 : vector<300x1xf32> to vector<300x1024xf32>
    %le3A_28 = arith.cmpf ole, %get3A_25, %le3A : vector<300x1024xf32>
    %jit3A = arith.constant 1024 : i32
    %broadcast_in_dim3A_29 = vector.broadcast %jit3A : i32 to vector<300x1024xi32>
    %select_n3A = arith.select %le3A_28, %iota3A, %broadcast_in_dim3A_29 : vector<300x1024xi1>, vector<300x1024xi32>
    %reduce_min3A_30 = arith.constant dense<2147483647> : vector<300xi32>
    %reduce_min3A_31 = vector.multi_reduction <minsi>, %select_n3A, %reduce_min3A_30 [1] : vector<300x1024xi32> to vector<300xi32>
    %broadcast_in_dim3A_32 = vector.shape_cast %reduce_min3A_31 : vector<300xi32> to vector<300x1xi32>
    %eq3A_33 = vector.broadcast %broadcast_in_dim3A_32 : vector<300x1xi32> to vector<300x1024xi32>
    %eq3A_34 = arith.cmpi eq, %iota3A, %eq3A_33 : vector<300x1024xi32>
    %convert_element_type3A_35 = arith.extui %eq3A_34 : vector<300x1024xi1> to vector<300x1024xi32>
    %convert_element_type3A_36 = arith.sitofp %convert_element_type3A_35 : vector<300x1024xi32> to vector<300x1024xf32>
    %swap3A_37 = arith.constant 0 : index
    %swap3A_38 = arith.constant 0 : index
    %swap3A_39 = vector.load %arg6[%swap3A_37, %swap3A_38] : memref<300x1024xf32, #tpu.memory_space<vmem>>, vector<300x1024xf32>
    tpu.vector_store %arg6[%swap3A_37, %swap3A_38], %convert_element_type3A_36 {strides = array<i32>} : memref<300x1024xf32, #tpu.memory_space<vmem>>, vector<300x1024xf32>,
    %get3A_40 = arith.constant 0 : index
    %get3A_41 = arith.constant 0 : index
    %get3A_42 = vector.load %arg6[%get3A_40, %get3A_41] : memref<300x1024xf32, #tpu.memory_space<vmem>>, vector<300x1024xf32>
    %get3A_43 = arith.constant 0 : index
    %get3A_44 = arith.constant 0 : index
    %get3A_45 = arith.constant 0 : index
    %get3A_46 = vector.load %arg2[%get3A_43, %get3A_44, %get3A_45] : memref<1x1024x128xf32, #tpu.memory_space<vmem>>, vector<1x1024x128xf32>
    %get3A_47 = vector.shape_cast %get3A_46 : vector<1x1024x128xf32> to vector<1024x128xf32>
    %dot_general3A_48 = arith.constant dense<0.000000e+00> : vector<300x128xf32>
    %dot_general3A_49 = tpu.matmul %get3A_42, %get3A_47, %dot_general3A_48 {dimension_numbers = #tpu.dot_dimension_numbers<[1], [0], [0], [1], [0, 0, 1, 1], [], []>, precision = #tpu.contract_precision<fp32>, transpose_lhs_hint = false} : vector<300x1024xf32>, vector<1024x128xf32>, vector<300x128xf32> -> vector<300x128xf32>
    %sub3A_50 = arith.subf %get3A_3, %dot_general3A_49 : vector<300x128xf32>
    %swap3A_51 = arith.constant 0 : index
    %swap3A_52 = arith.constant 0 : index
    %swap3A_53 = vector.load %arg5[%swap3A_51, %swap3A_52] : memref<300x128xf32, #tpu.memory_space<vmem>>, vector<300x128xf32>
    tpu.vector_store %arg5[%swap3A_51, %swap3A_52], %sub3A_50 {strides = array<i32>} : memref<300x128xf32, #tpu.memory_space<vmem>>, vector<300x128xf32>,
    %get3A_54 = arith.constant 0 : index
    %get3A_55 = arith.constant 0 : index
    %get3A_56 = vector.load %arg4[%get3A_54, %get3A_55] : memref<300x128xf32, #tpu.memory_space<vmem>>, vector<300x128xf32>
    %add3A_57 = arith.addf %get3A_56, %dot_general3A_49 : vector<300x128xf32>
    %swap3A_58 = arith.constant 0 : index
    %swap3A_59 = arith.constant 0 : index
    %swap3A_60 = vector.load %arg4[%swap3A_58, %swap3A_59] : memref<300x128xf32, #tpu.memory_space<vmem>>, vector<300x128xf32>
    tpu.vector_store %arg4[%swap3A_58, %swap3A_59], %add3A_57 {strides = array<i32>} : memref<300x128xf32, #tpu.memory_space<vmem>>, vector<300x128xf32>,
    return
  }
  func.func @transform_0(%arg0: i32) -> (i32, i32) {
    %c0_i32 = arith.constant 0 : i32
    %c0_i32_0 = arith.constant 0 : i32
    %c0_i32_1 = arith.constant 0 : i32
    return %c0_i32, %c0_i32_0 : i32, i32
  }
  func.func @transform_1(%arg0: i32) -> (i32, i32, i32) {
    %c0_i32 = arith.constant 0 : i32
    %c0_i32_0 = arith.constant 0 : i32
    %c0_i32_1 = arith.constant 0 : i32
    return %arg0, %c0_i32, %c0_i32_0 : i32, i32, i32
  }
  func.func @transform_2(%arg0: i32) -> (i32, i32, i32) {
    %c0_i32 = arith.constant 0 : i32
    %c0_i32_0 = arith.constant 0 : i32
    %c0_i32_1 = arith.constant 0 : i32
    return %arg0, %c0_i32, %c0_i32_0 : i32, i32, i32
  }
  func.func @transform_3(%arg0: i32) -> (i32, i32) {
    %c0_i32 = arith.constant 0 : i32
    %c0_i32_0 = arith.constant 0 : i32
    %c0_i32_1 = arith.constant 0 : i32
    return %c0_i32, %c0_i32_0 : i32, i32
  }
}

module attributes {stable_mosaic.version = 14 : i64} {
  func.func @_lambda_(%arg0: memref<512x896xf32, #tpu.memory_space<vmem>>, %arg1: memref<896x300xf32, #tpu.memory_space<vmem>>, %arg2: memref<512x300xf32, #tpu.memory_space<vmem>>) attributes {dimension_semantics = [], scalar_prefetch = 0 : i64, scratch_operands = 0 : i64, tpu.core_type = #tpu.core_type<tc>} {
    %get3A = arith.constant 0 : index
    %get3A_0 = arith.constant 0 : index
    %get3A_1 = vector.load %arg0[%get3A, %get3A_0] : memref<512x896xf32, #tpu.memory_space<vmem>>, vector<512x896xf32>
    %get3A_2 = arith.constant 0 : index
    %get3A_3 = arith.constant 0 : index
    %get3A_4 = vector.load %arg1[%get3A_2, %get3A_3] : memref<896x300xf32, #tpu.memory_space<vmem>>, vector<896x300xf32>
    %dot_general3A = arith.constant dense<0.000000e+00> : vector<512x300xf32>
    %dot_general3A_5 = tpu.matmul %get3A_1, %get3A_4, %dot_general3A {dimension_numbers = #tpu.dot_dimension_numbers<[1], [0], [0], [1], [0, 0, 1, 1], [], []>, transpose_lhs_hint = false} : vector<512x896xf32>, vector<896x300xf32>, vector<512x300xf32> -> vector<512x300xf32>
    %swap3A = arith.constant 0 : index
    %swap3A_6 = arith.constant 0 : index
    %swap3A_7 = vector.load %arg2[%swap3A, %swap3A_6] : memref<512x300xf32, #tpu.memory_space<vmem>>, vector<512x300xf32>
    tpu.vector_store %arg2[%swap3A, %swap3A_6], %dot_general3A_5 {strides = array<i32>} : memref<512x300xf32, #tpu.memory_space<vmem>>, vector<512x300xf32>,
    return
  }
}

module attributes {stable_mosaic.version = 14 : i64} {
  func.func @_lambda_(%arg0: memref<2048x1536xf32, #tpu.memory_space<vmem>>, %arg1: memref<1536x300xf32, #tpu.memory_space<vmem>>, %arg2: memref<2048x300xf32, #tpu.memory_space<vmem>>) attributes {dimension_semantics = [], scalar_prefetch = 0 : i64, scratch_operands = 0 : i64, tpu.core_type = #tpu.core_type<tc>} {
    %get3A = arith.constant 0 : index
    %get3A_0 = arith.constant 0 : index
    %get3A_1 = vector.load %arg0[%get3A, %get3A_0] : memref<2048x1536xf32, #tpu.memory_space<vmem>>, vector<2048x1536xf32>
    %get3A_2 = arith.constant 0 : index
    %get3A_3 = arith.constant 0 : index
    %get3A_4 = vector.load %arg1[%get3A_2, %get3A_3] : memref<1536x300xf32, #tpu.memory_space<vmem>>, vector<1536x300xf32>
    %dot_general3A = arith.constant dense<0.000000e+00> : vector<2048x300xf32>
    %dot_general3A_5 = tpu.matmul %get3A_1, %get3A_4, %dot_general3A {dimension_numbers = #tpu.dot_dimension_numbers<[1], [0], [0], [1], [0, 0, 1, 1], [], []>, transpose_lhs_hint = false} : vector<2048x1536xf32>, vector<1536x300xf32>, vector<2048x300xf32> -> vector<2048x300xf32>
    %gt3A = arith.constant 0.000000e+00 : f32
    %gt3A_6 = vector.broadcast %gt3A : f32 to vector<2048x300xf32>
    %gt3A_7 = arith.cmpf ogt, %dot_general3A_5, %gt3A_6 : vector<2048x300xf32>
    %min3A = arith.constant 0.000000e+00 : f32
    %min3A_8 = vector.broadcast %min3A : f32 to vector<2048x300xf32>
    %min3A_9 = arith.minimumf %dot_general3A_5, %min3A_8 : vector<2048x300xf32>
    %exp3A = math.exp %min3A_9 : vector<2048x300xf32>
    %sub3A = arith.constant 1.000000e+00 : f32
    %sub3A_10 = vector.broadcast %sub3A : f32 to vector<2048x300xf32>
    %sub3A_11 = arith.subf %exp3A, %sub3A_10 : vector<2048x300xf32>
    %select_n3A = arith.select %gt3A_7, %dot_general3A_5, %sub3A_11 : vector<2048x300xi1>, vector<2048x300xf32>
    %swap3A = arith.constant 0 : index
    %swap3A_12 = arith.constant 0 : index
    %swap3A_13 = vector.load %arg2[%swap3A, %swap3A_12] : memref<2048x300xf32, #tpu.memory_space<vmem>>, vector<2048x300xf32>
    tpu.vector_store %arg2[%swap3A, %swap3A_12], %select_n3A {strides = array<i32>} : memref<2048x300xf32, #tpu.memory_space<vmem>>, vector<2048x300xf32>,
    return
  }
}

module attributes {stable_mosaic.version = 14 : i64} {
  func.func @_lambda_(%arg0: memref<640x768xf32, #tpu.memory_space<vmem>>, %arg1: memref<768x2400xf32, #tpu.memory_space<vmem>>, %arg2: memref<640x2400xf32, #tpu.memory_space<vmem>>) attributes {dimension_semantics = [], scalar_prefetch = 0 : i64, scratch_operands = 0 : i64, tpu.core_type = #tpu.core_type<tc>} {
    %get3A = arith.constant 0 : index
    %get3A_0 = arith.constant 0 : index
    %get3A_1 = vector.load %arg0[%get3A, %get3A_0] : memref<640x768xf32, #tpu.memory_space<vmem>>, vector<640x768xf32>
    %get3A_2 = arith.constant 0 : index
    %get3A_3 = arith.constant 0 : index
    %get3A_4 = vector.load %arg1[%get3A_2, %get3A_3] : memref<768x2400xf32, #tpu.memory_space<vmem>>, vector<768x2400xf32>
    %dot_general3A = arith.constant dense<0.000000e+00> : vector<640x2400xf32>
    %dot_general3A_5 = tpu.matmul %get3A_1, %get3A_4, %dot_general3A {dimension_numbers = #tpu.dot_dimension_numbers<[1], [0], [0], [1], [0, 0, 1, 1], [], []>, transpose_lhs_hint = false} : vector<640x768xf32>, vector<768x2400xf32>, vector<640x2400xf32> -> vector<640x2400xf32>
    %gt3A = arith.constant 0.000000e+00 : f32
    %gt3A_6 = vector.broadcast %gt3A : f32 to vector<640x2400xf32>
    %gt3A_7 = arith.cmpf ogt, %dot_general3A_5, %gt3A_6 : vector<640x2400xf32>
    %min3A = arith.constant 0.000000e+00 : f32
    %min3A_8 = vector.broadcast %min3A : f32 to vector<640x2400xf32>
    %min3A_9 = arith.minimumf %dot_general3A_5, %min3A_8 : vector<640x2400xf32>
    %exp3A = math.exp %min3A_9 : vector<640x2400xf32>
    %sub3A = arith.constant 1.000000e+00 : f32
    %sub3A_10 = vector.broadcast %sub3A : f32 to vector<640x2400xf32>
    %sub3A_11 = arith.subf %exp3A, %sub3A_10 : vector<640x2400xf32>
    %select_n3A = arith.select %gt3A_7, %dot_general3A_5, %sub3A_11 : vector<640x2400xi1>, vector<640x2400xf32>
    %swap3A = arith.constant 0 : index
    %swap3A_12 = arith.constant 0 : index
    %swap3A_13 = vector.load %arg2[%swap3A, %swap3A_12] : memref<640x2400xf32, #tpu.memory_space<vmem>>, vector<640x2400xf32>
    tpu.vector_store %arg2[%swap3A, %swap3A_12], %select_n3A {strides = array<i32>} : memref<640x2400xf32, #tpu.memory_space<vmem>>, vector<640x2400xf32>,
    return
  }
}

module attributes {stable_mosaic.version = 14 : i64} {
  func.func @_lambda_(%arg0: i32, %arg1: memref<256x384xf32, #tpu.memory_space<vmem>>, %arg2: memref<384x2048xf32, #tpu.memory_space<vmem>>, %arg3: memref<256x2048xf32, #tpu.memory_space<vmem>>) attributes {dimension_semantics = [#tpu.dimension_semantics<arbitrary>], iteration_bounds = array<i64: 6>, scalar_prefetch = 0 : i64, scratch_operands = 0 : i64, tpu.core_type = #tpu.core_type<tc>, window_params = [{pipeline_mode = #tpu.pipeline_mode<synchronous>, transform_indices = @transform_0, window_bounds = array<i64: 256, 384>}, {transform_indices = @transform_1, window_bounds = array<i64: 384, 2048>}, {transform_indices = @transform_2, window_bounds = array<i64: 256, 2048>}]} {
    %get3A = arith.constant 0 : index
    %get3A_0 = arith.constant 0 : index
    %get3A_1 = vector.load %arg1[%get3A, %get3A_0] : memref<256x384xf32, #tpu.memory_space<vmem>>, vector<256x384xf32>
    %get3A_2 = arith.constant 0 : index
    %get3A_3 = arith.constant 0 : index
    %get3A_4 = vector.load %arg2[%get3A_2, %get3A_3] : memref<384x2048xf32, #tpu.memory_space<vmem>>, vector<384x2048xf32>
    %dot_general3A = arith.constant dense<0.000000e+00> : vector<256x2048xf32>
    %dot_general3A_5 = tpu.matmul %get3A_1, %get3A_4, %dot_general3A {dimension_numbers = #tpu.dot_dimension_numbers<[1], [0], [0], [1], [0, 0, 1, 1], [], []>, transpose_lhs_hint = false} : vector<256x384xf32>, vector<384x2048xf32>, vector<256x2048xf32> -> vector<256x2048xf32>
    %gt3A = arith.constant 0.000000e+00 : f32
    %gt3A_6 = vector.broadcast %gt3A : f32 to vector<256x2048xf32>
    %gt3A_7 = arith.cmpf ogt, %dot_general3A_5, %gt3A_6 : vector<256x2048xf32>
    %min3A = arith.constant 0.000000e+00 : f32
    %min3A_8 = vector.broadcast %min3A : f32 to vector<256x2048xf32>
    %min3A_9 = arith.minimumf %dot_general3A_5, %min3A_8 : vector<256x2048xf32>
    %exp3A = math.exp %min3A_9 : vector<256x2048xf32>
    %sub3A = arith.constant 1.000000e+00 : f32
    %sub3A_10 = vector.broadcast %sub3A : f32 to vector<256x2048xf32>
    %sub3A_11 = arith.subf %exp3A, %sub3A_10 : vector<256x2048xf32>
    %select_n3A = arith.select %gt3A_7, %dot_general3A_5, %sub3A_11 : vector<256x2048xi1>, vector<256x2048xf32>
    %swap3A = arith.constant 0 : index
    %swap3A_12 = arith.constant 0 : index
    %swap3A_13 = vector.load %arg3[%swap3A, %swap3A_12] : memref<256x2048xf32, #tpu.memory_space<vmem>>, vector<256x2048xf32>
    tpu.vector_store %arg3[%swap3A, %swap3A_12], %select_n3A {strides = array<i32>} : memref<256x2048xf32, #tpu.memory_space<vmem>>, vector<256x2048xf32>,
    return
  }
  func.func @transform_0(%arg0: i32) -> (i32, i32) {
    %c0_i32 = arith.constant 0 : i32
    %c0_i32_0 = arith.constant 0 : i32
    %c0_i32_1 = arith.constant 0 : i32
    return %c0_i32, %c0_i32_0 : i32, i32
  }
  func.func @transform_1(%arg0: i32) -> (i32, i32) {
    %c0_i32 = arith.constant 0 : i32
    %c0_i32_0 = arith.constant 0 : i32
    return %c0_i32, %arg0 : i32, i32
  }
  func.func @transform_2(%arg0: i32) -> (i32, i32) {
    %c0_i32 = arith.constant 0 : i32
    %c0_i32_0 = arith.constant 0 : i32
    return %c0_i32, %arg0 : i32, i32
  }
}

module attributes {stable_mosaic.version = 14 : i64} {
  func.func @_lambda_(%arg0: i32, %arg1: memref<64x192xf32, #tpu.memory_space<vmem>>, %arg2: memref<192x2048xf32, #tpu.memory_space<vmem>>, %arg3: memref<64x2048xf32, #tpu.memory_space<vmem>>) attributes {dimension_semantics = [#tpu.dimension_semantics<arbitrary>], iteration_bounds = array<i64: 24>, scalar_prefetch = 0 : i64, scratch_operands = 0 : i64, tpu.core_type = #tpu.core_type<tc>, window_params = [{pipeline_mode = #tpu.pipeline_mode<synchronous>, transform_indices = @transform_0, window_bounds = array<i64: 64, 192>}, {transform_indices = @transform_1, window_bounds = array<i64: 192, 2048>}, {transform_indices = @transform_2, window_bounds = array<i64: 64, 2048>}]} {
    %get3A = arith.constant 0 : index
    %get3A_0 = arith.constant 0 : index
    %get3A_1 = vector.load %arg1[%get3A, %get3A_0] : memref<64x192xf32, #tpu.memory_space<vmem>>, vector<64x192xf32>
    %get3A_2 = arith.constant 0 : index
    %get3A_3 = arith.constant 0 : index
    %get3A_4 = vector.load %arg2[%get3A_2, %get3A_3] : memref<192x2048xf32, #tpu.memory_space<vmem>>, vector<192x2048xf32>
    %dot_general3A = arith.constant dense<0.000000e+00> : vector<64x2048xf32>
    %dot_general3A_5 = tpu.matmul %get3A_1, %get3A_4, %dot_general3A {dimension_numbers = #tpu.dot_dimension_numbers<[1], [0], [0], [1], [0, 0, 1, 1], [], []>, transpose_lhs_hint = false} : vector<64x192xf32>, vector<192x2048xf32>, vector<64x2048xf32> -> vector<64x2048xf32>
    %gt3A = arith.constant 0.000000e+00 : f32
    %gt3A_6 = vector.broadcast %gt3A : f32 to vector<64x2048xf32>
    %gt3A_7 = arith.cmpf ogt, %dot_general3A_5, %gt3A_6 : vector<64x2048xf32>
    %min3A = arith.constant 0.000000e+00 : f32
    %min3A_8 = vector.broadcast %min3A : f32 to vector<64x2048xf32>
    %min3A_9 = arith.minimumf %dot_general3A_5, %min3A_8 : vector<64x2048xf32>
    %exp3A = math.exp %min3A_9 : vector<64x2048xf32>
    %sub3A = arith.constant 1.000000e+00 : f32
    %sub3A_10 = vector.broadcast %sub3A : f32 to vector<64x2048xf32>
    %sub3A_11 = arith.subf %exp3A, %sub3A_10 : vector<64x2048xf32>
    %select_n3A = arith.select %gt3A_7, %dot_general3A_5, %sub3A_11 : vector<64x2048xi1>, vector<64x2048xf32>
    %swap3A = arith.constant 0 : index
    %swap3A_12 = arith.constant 0 : index
    %swap3A_13 = vector.load %arg3[%swap3A, %swap3A_12] : memref<64x2048xf32, #tpu.memory_space<vmem>>, vector<64x2048xf32>
    tpu.vector_store %arg3[%swap3A, %swap3A_12], %select_n3A {strides = array<i32>} : memref<64x2048xf32, #tpu.memory_space<vmem>>, vector<64x2048xf32>,
    return
  }
  func.func @transform_0(%arg0: i32) -> (i32, i32) {
    %c0_i32 = arith.constant 0 : i32
    %c0_i32_0 = arith.constant 0 : i32
    %c0_i32_1 = arith.constant 0 : i32
    return %c0_i32, %c0_i32_0 : i32, i32
  }
  func.func @transform_1(%arg0: i32) -> (i32, i32) {
    %c0_i32 = arith.constant 0 : i32
    %c0_i32_0 = arith.constant 0 : i32
    return %c0_i32, %arg0 : i32, i32
  }
  func.func @transform_2(%arg0: i32) -> (i32, i32) {
    %c0_i32 = arith.constant 0 : i32
    %c0_i32_0 = arith.constant 0 : i32
    return %c0_i32, %arg0 : i32, i32
  }
}

module attributes {stable_mosaic.version = 14 : i64} {
  func.func @_lambda_(%arg0: i32, %arg1: memref<8x224xf32, #tpu.memory_space<vmem>>, %arg2: memref<224x2048xf32, #tpu.memory_space<vmem>>, %arg3: memref<8x2048xf32, #tpu.memory_space<vmem>>) attributes {dimension_semantics = [#tpu.dimension_semantics<arbitrary>], iteration_bounds = array<i64: 47>, scalar_prefetch = 0 : i64, scratch_operands = 0 : i64, tpu.core_type = #tpu.core_type<tc>, window_params = [{pipeline_mode = #tpu.pipeline_mode<synchronous>, transform_indices = @transform_0, window_bounds = array<i64: 8, 224>}, {transform_indices = @transform_1, window_bounds = array<i64: 224, 2048>}, {transform_indices = @transform_2, window_bounds = array<i64: 8, 2048>}]} {
    %get3A = arith.constant 0 : index
    %get3A_0 = arith.constant 0 : index
    %get3A_1 = vector.load %arg1[%get3A, %get3A_0] : memref<8x224xf32, #tpu.memory_space<vmem>>, vector<8x224xf32>
    %get3A_2 = arith.constant 0 : index
    %get3A_3 = arith.constant 0 : index
    %get3A_4 = vector.load %arg2[%get3A_2, %get3A_3] : memref<224x2048xf32, #tpu.memory_space<vmem>>, vector<224x2048xf32>
    %dot_general3A = arith.constant dense<0.000000e+00> : vector<8x2048xf32>
    %dot_general3A_5 = tpu.matmul %get3A_1, %get3A_4, %dot_general3A {dimension_numbers = #tpu.dot_dimension_numbers<[1], [0], [0], [1], [0, 0, 1, 1], [], []>, transpose_lhs_hint = false} : vector<8x224xf32>, vector<224x2048xf32>, vector<8x2048xf32> -> vector<8x2048xf32>
    %swap3A = arith.constant 0 : index
    %swap3A_6 = arith.constant 0 : index
    %swap3A_7 = vector.load %arg3[%swap3A, %swap3A_6] : memref<8x2048xf32, #tpu.memory_space<vmem>>, vector<8x2048xf32>
    tpu.vector_store %arg3[%swap3A, %swap3A_6], %dot_general3A_5 {strides = array<i32>} : memref<8x2048xf32, #tpu.memory_space<vmem>>, vector<8x2048xf32>,
    return
  }
  func.func @transform_0(%arg0: i32) -> (i32, i32) {
    %c0_i32 = arith.constant 0 : i32
    %c0_i32_0 = arith.constant 0 : i32
    %c0_i32_1 = arith.constant 0 : i32
    return %c0_i32, %c0_i32_0 : i32, i32
  }
  func.func @transform_1(%arg0: i32) -> (i32, i32) {
    %c0_i32 = arith.constant 0 : i32
    %c0_i32_0 = arith.constant 0 : i32
    return %c0_i32, %arg0 : i32, i32
  }
  func.func @transform_2(%arg0: i32) -> (i32, i32) {
    %c0_i32 = arith.constant 0 : i32
    %c0_i32_0 = arith.constant 0 : i32
    return %c0_i32, %arg0 : i32, i32
  }
}

</mosaic_0001>

<sc_bundles>
// kernel: sparse-core-data-format-call.1.cloned.1.call-start
scs
called_computation.1_lowered:
.L_overlay_start_0:
0x0: {  	s1 =	sld [smem:$0x3FD9]  }
0x1: {  	s2 =	sld [smem:$0x3FFE];
	_ =	sdelay $0x1  }
0x2: {  	s3 =	srdreg.scid  }
0x3: {  	s0 =	sand.u32 $0x1, s3  }
0x4: {  	s17 =	sshll.u32 s0, $0xA;
	s1 =	sadd.s32 s2, s1  }
0x5: {  	s1 =	sadd.s32 s1, s17  }
0x6: {  	[smem:$0x3FBA] =	sst s1  }
0x7: {  	_ = 	snop  }
0x8: {  	(tm) =	ssettm $0x1  }
0x9: {  	s18 =	sld [smem:$0x3FFB];
	_ =	sdelay $0x3  }
0xa: {  	_ =	strace s18  }
0xb: {  	s1 =	sld [smem:$0x3FFC];
	_ =	sdelay $0x3  }
0xc: {  	_ =	strace s1  }
0xd: {  	s1 =	sld [smem:$0x3FFD];
	_ =	sdelay $0x3  }
0xe: {  	_ =	strace s1  }
0xf: {  	_ =	strace $0x8FFFFFFF  }
0x10: {  	s19 =	sld [smem:$0x3FDB];
	_ =	sdelay $0x1  }
0x11: {  	s20 =	simm.s32 $_scs_section_size  }
0x12: {  	s4 =	simm.s32 $_size__tile_overlayer_lowered;
	s5 =	simm.s32 $_tile_overlayer_lowered  }
0x13: {  	s23 =	simm.s32 $0x1BFF;
	s22 =	sshll.u32 s5, $0x1;
	s1 =	sadd.s32 s20, s19  }
0x14: {  	s6 =	simm.s32 $0x0;
	s21 =	sshll.u32 s4, $0x1;
	s4 =	sadd.s32 s22, s1  }
0x15: {  	[timem:s6], [sflag:s23] =	dma.local [hbm:s4], s21  }
0x16: {  	_ =	swait.ge [sflag:s23], s21  }
0x17: {  	s2 =	ssub.s32 $0x0, s21;
	[sflag:s23] =	ssyncset.done $0x0  }
0x18: {  	[sflag:s23] =	ssyncadd.s32 s2;
	_ =	sdelay $0x1  }
0x19: {  	s24 =	simm.s32 $0x1B8B  }
0x1a: {  	_ =	swait.ge [sflag:s24], $0x1  }
0x1b: {  	[sflag:s24] =	ssyncset.done $0x0  }
0x1c: {  	s26 =	simm.s32 $0x1B8E;
	s25 =	sld [smem:$0x3FFE];
	[sflag:s24] =	ssyncadd.s32 $0xFFFFFFFF  }
0x1d: {  	s27 =	simm.s32 $execute0_lowered;
	[smem:$0x3FD2] =	sst s26  }
0x1e: {  	s4 =	sshll.u32 s27, $0x1;
	_ =	strace $0x80000049;
	[dreg:$0x1] =	wrdreg $0xFFFFFFFF  }
0x1f: {  	s28 =	simm.s32 $_size_execute0_lowered;
	s1 =	sadd.s32 s1, s4;
	[dreg:$0x0] =	wrdreg $0x0  }
0x20: {  	s4 =	sshll.u32 s28, $0x1;
	[dreg:$0x2] =	wrdreg s1  }
0x21: {  	[dreg:$0x3] =	wrdreg s4  }
0x22: {  	[dreg:$0x4] =	wrdreg $0xC0  }
0x23: {  	_ =	task [dreg:s6], $0x5FFFF  }
0x24: {  	[dreg:$0x1] =	wrdreg $0xFFFFFFFF  }
0x25: {  	[dreg:$0x0] =	wrdreg $0x60  }
0x26: {  	[dreg:$0x2] =	wrdreg s25  }
0x27: {  	[dreg:$0x3] =	wrdreg $0x9  }
0x28: {  	_ =	task.clear_ibuf [dreg:s6], $0x4FFFF;
	_ =	strace $0x90000049  }
0x29: {  	s29 =	simm.s32 $0x9;
	_ =	strace $0x8000004B  }
0x2a: {  	_ =	swait.ge [sflag:s29], $0x1  }
0x2b: {  	[sflag:s29] =	ssyncadd.s32 $0xFFFFFFFF  }
0x2c: {  	_ =	strace $0x9000004B  }
0x2d: {  	_ =	sfence  }
0x2e: {  	s30 =	sld [smem:$0x0];
	_ =	sdelay $0x2  }
0x2f: {  	s31 =	sshll.u32 s3, $0xD;
	s3 =	sshrl.u32 s3, $0x2  }
0x30: {  	s2 =	sand.u32 $0x4000, s31;
	s1 =	sadd.s32 s3, s30  }
0x31: {  	s0 =	sor.u32 s2, s0;
	s1 =	sshll.u32 s1, $0x11  }
0x32: {  	s0 =	sor.u32 s1, s0  }
0x33: {  	s0 =	sadd.s32 $0x8F2B, s0  }
0x34: {  	[sflag:s0] =	ssyncadd.remote.s32 $0x1  }
0x35: {  	_ =	sfence.sel $0xFFFF  }
0x36: {  	[dreg:$0x0] =	wrdreg $0xFFFFFFFF;
	(pc) =	sbr.abs _section_cstart, $3  }
0x37: {  	[dreg:$0x1] =	wrdreg $0xFFFFFFFF  }
0x38: {  	_ =	task.clear_ibuf [dreg:s6], $0x2FFFF;
	_ =	strace $0x9FFFFFFF  }
0x39: {  	(tm) =	ssettm $0x7FFFFFFF  }
tec
execute0_lowered:
.L_overlay_start_1:
0x0: {  	(tag) =	ssettag $0x1  }
0x1: {  	s0 =	stileid.u32  }
0x2: {  	s1 =	srdreg.scid;
	s8 =	rddreg [dreg:$0x0]  }
0x3: {  	s2 =	sshll.u32 s0, $0x1;
	s3 =	sshll.u32 s0, $0x6;
	s4 =	sshll.u32 s1, $0xA  }
0x4: {  	s9 =	simm.s32 $0x2;
	s1 =	sand.u32 $0x2, s2;
	s29 =	sor.u32 s3, s4  }
0x5: {  	s17 =	simm.s32 $0x0;
	s3 =	sand.u32 $0x780, s29;
	s30 =	ssub.s32 $0x4, s1  }
0x6: {  	s10 =	simm.s32 $0xBC00;
	s31 =	sshrl.u32 s30, $0x1;
	s5 =	ssub.s32 $0x2E80, s3  }
0x7: {  	s2 =	sshrl.u32 s30, $0x2;
	s4 =	sand.u32 $0x1, s31;
	s5 =	sshrl.u32 s5, $0xB  }
0x8: {  	s11 =	simm.s32 $0x0;
	s4 =	sadd.s32 s2, s4;
	s5 =	sadd.s32 $0x1, s5  }
0x9: {  	s16 =	simm.s32 $0x0;
	s18 =	simm.s32 $0x0;
	s5 =	smul.u32 s5, s4  }
.Ltmp0:
0xa: {  	s13 =	simm.s32 $0x0;
	s15 =	simm.s32 $0x0;
	(pc) =	sbr.rel .LBB1_1-.Ltmp0, $4  }
0xb: {  	s6 =	sadd.s32 $0x9000, s8;
	s7 =	sadd.s32 $0x123000, s8;
	s2 =	rddreg [dreg:$0x1]  }
0xc: {  	_ =	strace $0x8000004A;
	s4 =	simm.s32 $0x1;
	s5 =	smul.u32 $0x3, s5  }
0xd: {  	s8 =	sadd.s32 $0x4F800, s8;
	s14 =	smov.u32 s1;
	[sflag:s4] =	ssyncpa.u1 $0x0  }
0xe: {  	s12 =	smov.u32 s3;
	[sflag:s9] =	ssyncpa.u1 $0x0;
	s9 =	sadd.s32 $0x1, s5  }
.LBB1_7:
0xf: {  	s19 =	sadd.s32 $0x800, s12  }
0x10: {  	s16 =	sadd.s32 $0x40, s13;
	s20 =	smov.u32 s13;
	p1 =	sgt.s32 s19, $0x2EDF  }
0x11: {  	s20 =	smov.u32 @p1 s16  }
0x12: {  	s22 =	smov.u32 s14;
	s16 =	sadd.s32 $0x4, s14;
	p2 =	sgt.s32 s20, $0xBF  }
0x13: {  	s22 =	smov.u32 @p2 s16  }
0x14: {  	s19 =	smov.u32 @p1 s3;
	p1 =	sgt.s32 s22, $0x3  }
0x15: {  	p0 =	slt.u32 s15, $0x2;
	s22 =	smov.u32 @p1 s1;
	p1 =	sne.s32 s15, s9  }
.Ltmp1:
0x16: {  	s21 =	simm.s32 @!p0 $0x2;
	(pc) =	sbr.rel @!p1 .LBB1_8-.Ltmp1, $4  }
0x17: {  	s17 =	smov.u32 s12;
	s18 =	smov.u32 s14;
	_ =	swait.ge @!p0 [sflag:s21], $0x4000  }
0x18: {  	s11 =	sadd.s32 $0x4000, s11;
	[sflag:s21] =	ssyncset.done @!p0 $0x0;
	s12 =	smov.u32 s19  }
0x19: {  	s20 =	simm.s32 @p2 $0x0;
	s16 =	smov.u32 s13;
	[sflag:s21] =	ssyncadd.s32 @!p0 $0xFFFFC000  }
0x1a: {  	s13 =	smov.u32 s20;
	s15 =	sadd.s32 $0x1, s15;
	s14 =	smov.u32 s22  }
.LBB1_1:
0x1b: {  	p0 =	sge.u32 s15, s5  }
0x1c: {  	s19 =	sshrl.u32 @!p0 s13, $0x3  }
0x1d: {  	s20 =	sshll.u32 @!p0 s12, $0x3;
	s19 =	smul.u32 @!p0 $0x17800, s19  }
0x1e: {  	s21 =	sshll.u32 @!p0 s13, $0x7;
	s20 =	sand.u32 @!p0 $0xFFFFFC00, s20  }
0x1f: {  	s19 =	sadd.s32 @!p0 s19, s20;
	s20 =	sand.u32 @!p0 $0x380, s21  }
0x20: {  	s19 =	sor.u32 @!p0 s20, s19;
	s20 =	sand.u32 @!p0 $0x7F, s12  }
0x21: {  	s21 =	smulhi.u32 @!p0 $0xAE4C415D, s19;
	s19 =	sor.u32 @!p0 s20, s19  }
0x22: {  	s20 =	smulhi.u32 @!p0 $0xAE4C415D, s19  }
0x23: {  	s21 =	sshrl.u32 @!p0 s21, $0xD  }
0x24: {  	s22 =	smulhi.u32 @!p0 $0x1555556, s21;
	s20 =	sshrl.u32 @!p0 s20, $0xD  }
0x25: {  	s20 =	smul.u32 @!p0 $0x2F00, s20  }
0x26: {  	s22 =	smul.u32 @!p0 $0xC0, s22  }
0x27: {  	s23 =	sxor.u32 @!p0 $0xFFFFFFFF, s15;
	s25 =	simm.s32 @!p0 $0x17800  }
0x28: {  	s19 =	ssub.s32 @!p0 s19, s20;
	s21 =	ssub.s32 @!p0 s21, s22;
	s22 =	smul.u32 @!p0 $0x46800, s14  }
0x29: {  	s23 =	sshll.u32 @!p0 s23, $0xE;
	s24 =	sand.u32 @!p0 $0x7, s19;
	s20 =	smul.u32 @!p0 $0x5E0, s21  }
0x2a: {  	s19 =	sshrl.u32 @!p0 s19, $0x3;
	s21 =	sand.u32 @!p0 $0x4000, s23;
	s23 =	sadd.s32 @!p0 s6, s22  }
0x2b: {  	s24 =	sshll.u32 @!p0 s24, $0x12;
	s22 =	sadd.s32 @!p0 s22, s8;
	s23 =	sadd.s32 @!p0 s20, s23  }
0x2c: {  	s24 =	sor.u32 @!p0 $0x400, s24;
	s20 =	sadd.s32 @!p0 s20, s22;
	s23 =	sadd.s32 @!p0 s19, s23  }
0x2d: {  	[tilespmem:s21], [sflag:$0x1] =	stream.strided.gather @!p0 [hbm4b:s23+s24], $0x2000, s25, s24, $0x38;
	[tilespmem:$0x10000] =	vst v63  }
0x2e: {  	s31 =	sadd.s32 $0xFFFFFFFF, s15;
	s19 =	sadd.s32 @!p0 s19, s20;
	s20 =	sor.u32 @!p0 $0x2000, s21  }
0x2f: {  	[tilespmem:s20], [sflag:$0x1] =	stream.strided.gather @!p0 [hbm4b:s19+s24], $0x2000, s25, s24, $0x38;
	[tilespmem:$0x10000] =	vst v63  }
0x30: {  	p0 =	sge.u32 s31, s5  }
.Ltmp2:
0x31: {  	_ = 	snop;
	(pc) =	sbr.rel @p0 .LBB1_7-.Ltmp2, $1  }
0x32: {  	_ =	sdelay $0x3  }
0x33: {  	s19 =	sshll.u32 s11, $0x2  }
0x34: {  	_ =	swait.ge [sflag:s4], $0x4000;
	s20 =	sshll.u32 s15, $0xE;
	s22 =	simm.s32 $0x0  }
0x35: {  	p1 =	por $0x1, $0x1;
	s19 =	sand.u32 $0x10000, s19;
	[sflag:s4] =	ssyncset.done $0x0  }
0x36: {  	s20 =	sand.u32 $0x4000, s20;
	s21 =	sshrl.u32 s19, $0x2;
	[sflag:s4] =	ssyncadd.s32 $0xFFFFC000  }
0x37: {  	s19 =	sor.u32 $0x8000, s20;
	s20 =	sadd.s32 $0x8040, s21;
	s21 =	sadd.s32 $0x40, s21  }
.LBB1_3:
0x38: {  	s23 =	sshll.u32 s22, $0xD  }
0x39: {  	s23 =	sand.u32 $0x3FFFE000, s23  }
0x3a: {  	s23 =	sadd.s32 s23, s21  }
0x3b: {  	v0 =	vmov s23;
	_ =	sdelay $0x3  }
0x3c: {  	s25 =	simm.s32 $0x0  }
0x3d: {  	v6 =	vld.idx.msk [tilespmem:v0+s25+$0x30 ss:$0x1], $0xffff  }
0x3e: {  	v7 =	vld.idx.msk [tilespmem:v0+s25+$0xFFFFFFC0 ss:$0x1], $0xffff  }
0x3f: {  	v1 =	vld.idx.msk [tilespmem:v0+s25+$0xFFFFFFD0 ss:$0x1], $0xffff  }
0x40: {  	s31 =	sshll.u32 s22, $0x7;
	v2 =	vld.idx.msk [tilespmem:v0+s25+$0xFFFFFFE0 ss:$0x1], $0xffff  }
0x41: {  	s22 =	sand.u32 $0x3FFFFF80, s31;
	v3 =	vld.idx.msk [tilespmem:v0+s25+$0xFFFFFFF0 ss:$0x1], $0xffff  }
0x42: {  	s22 =	sadd.s32 s22, s20;
	v4 =	vld.idx.msk [tilespmem:v0+s25+$0x0 ss:$0x1], $0xffff  }
0x43: {  	v5 =	vld.idx.msk [tilespmem:v0+s25+$0x10 ss:$0x1], $0xffff;
	[tilespmem:s22+$0x30] =	vst v6  }
0x44: {  	p0 =	por p1, p1;
	s24 =	simm.s32 $0x400;
	s23 =	simm.s32 $0x80;
	[tilespmem:s22+$0xFFFFFFC0] =	vst v7;
	v6 =	vld.idx.msk [tilespmem:v0+s25+$0x20 ss:$0x1], $0xffff  }
.LBB1_4:
0x45: {  	p1 =	sne.s32 s24, $0x7E00;
	v7 =	vld.idx.msk [tilespmem:v0+s23+$0x30 ss:$0x1], $0xffff;
	[tilespmem:s22+$0xFFFFFFD0] =	vst v1  }
0x46: {  	v8 =	vld.idx.msk [tilespmem:v0+s23+$0xFFFFFFC0 ss:$0x1], $0xffff;
	[tilespmem:s22+$0xFFFFFFE0] =	vst v2  }
0x47: {  	v1 =	vld.idx.msk [tilespmem:v0+s23+$0xFFFFFFD0 ss:$0x1], $0xffff;
	[tilespmem:s22+$0xFFFFFFF0] =	vst v3  }
.Ltmp3:
0x48: {  	v2 =	vld.idx.msk [tilespmem:v0+s23+$0xFFFFFFE0 ss:$0x1], $0xffff;
	[tilespmem:s22+$0x0] =	vst v4;
	(pc) =	sbr.rel @p1 .LBB1_4-.Ltmp3, $4  }
0x49: {  	v3 =	vld.idx.msk [tilespmem:v0+s23+$0xFFFFFFF0 ss:$0x1], $0xffff;
	[tilespmem:s22+$0x10] =	vst v5  }
0x4a: {  	v4 =	vld.idx.msk [tilespmem:v0+s23+$0x0 ss:$0x1], $0xffff;
	[tilespmem:s22+$0x20] =	vst v6;
	s22 =	sadd.s32 $0x100, s22  }
0x4b: {  	v5 =	vld.idx.msk [tilespmem:v0+s23+$0x10 ss:$0x1], $0xffff;
	[tilespmem:s22+$0x30] =	vst v7  }
0x4c: {  	[tilespmem:s22+$0xFFFFFFC0] =	vst v8;
	v6 =	vld.idx.msk [tilespmem:v0+s23+$0x20 ss:$0x1], $0xffff;
	s23 =	sshra.s32 s24, $0x2;
	s24 =	sadd.s32 $0x200, s24  }
0x4d: {  	_ =	sdelay $0x2  }
0x4e: {  	[tilespmem:s22+$0xFFFFFFD0] =	vst v1  }
0x4f: {  	v56 =	vld.idx.msk [tilespmem:v0+s23+$0x30 ss:$0x1], $0xffff;
	[tilespmem:s22+$0xFFFFFFE0] =	vst v2  }
0x50: {  	v57 =	vld.idx.msk [tilespmem:v0+s23+$0xFFFFFFC0 ss:$0x1], $0xffff;
	[tilespmem:s22+$0xFFFFFFF0] =	vst v3  }
0x51: {  	v58 =	vld.idx.msk [tilespmem:v0+s23+$0xFFFFFFD0 ss:$0x1], $0xffff;
	[tilespmem:s22+$0x0] =	vst v4  }
0x52: {  	v59 =	vld.idx.msk [tilespmem:v0+s23+$0xFFFFFFE0 ss:$0x1], $0xffff;
	[tilespmem:s22+$0x10] =	vst v5  }
0x53: {  	v60 =	vld.idx.msk [tilespmem:v0+s23+$0xFFFFFFF0 ss:$0x1], $0xffff;
	s31 =	sadd.s32 $0x100, s22;
	[tilespmem:s22+$0x20] =	vst v6  }
0x54: {  	v61 =	vld.idx.msk [tilespmem:v0+s23+$0x0 ss:$0x1], $0xffff;
	[tilespmem:s31+$0x30] =	vst v56  }
0x55: {  	v62 =	vld.idx.msk [tilespmem:v0+s23+$0x10 ss:$0x1], $0xffff;
	[tilespmem:s31+$0xFFFFFFC0] =	vst v57  }
0x56: {  	v63 =	vld.idx.msk [tilespmem:v0+s23+$0x20 ss:$0x1], $0xffff;
	[tilespmem:s31+$0xFFFFFFD0] =	vst v58  }
.Ltmp4:
0x57: {  	[tilespmem:s31+$0xFFFFFFE0] =	vst v59;
	(pc) =	sbr.rel @p0 .LBB1_3-.Ltmp4, $4  }
0x58: {  	[tilespmem:s31+$0xFFFFFFF0] =	vst v60  }
0x59: {  	[tilespmem:s31+$0x0] =	vst v61  }
0x5a: {  	[tilespmem:s31+$0x10] =	vst v62  }
0x5b: {  	p1 =	por $0x0, $0x0;
	s22 =	simm.s32 $0x1;
	[tilespmem:s31+$0x20] =	vst v63  }
0x5c: {  	s20 =	sshrl.u32 s18, $0x2  }
0x5d: {  	s21 =	sshll.u32 s17, $0x2;
	s20 =	smul.u32 $0xBC00, s20  }
0x5e: {  	s27 =	sshll.u32 s18, $0x7;
	s21 =	sand.u32 $0xFFFFFE00, s21  }
0x5f: {  	s18 =	sand.u32 $0x180, s27;
	s20 =	sadd.s32 s20, s21  }
0x60: {  	s28 =	sand.u32 $0x7F, s17;
	s18 =	sor.u32 s18, s20  }
0x61: {  	s17 =	sor.u32 s28, s18;
	s18 =	smulhi.u32 $0xAE4C415D, s18  }
0x62: {  	s29 =	smulhi.u32 $0xAE4C415D, s17;
	_ =	sdelay $0x1  }
0x63: {  	s16 =	smul.u32 $0x1780, s16;
	s18 =	sshrl.u32 s18, $0xD;
	s20 =	sshrl.u32 s29, $0xD  }
0x64: {  	s18 =	sand.u32 $0x3, s18;
	s20 =	smul.u32 $0x2F00, s20  }
0x65: {  	s18 =	smul.u32 $0x5E0, s18  }
.Ltmp5:
0x66: {  	s17 =	ssub.s32 s17, s20;
	(pc) =	sbr.rel .LBB1_7-.Ltmp5, $4  }
0x67: {  	s16 =	sadd.s32 s7, s16;
	s20 =	sand.u32 $0x7, s17  }
0x68: {  	s16 =	sadd.s32 s18, s16;
	s17 =	sshrl.u32 s17, $0x3;
	s30 =	sshll.u32 s20, $0x12  }
0x69: {  	s16 =	sadd.s32 s17, s16;
	s31 =	sor.u32 $0x100, s30  }
0x6a: {  	[hbm4b:s16+s31] =	stream.strided.scatter [tilespmem:s19], [sflag:$0x2], $0x4000, s10, s31, $0x38;
	[tilespmem:$0x10000] =	vst v63  }
.LBB1_8:
0x6b: {  	_ =	sfence.sel $0x180000  }
0x6c: {  	s1 =	simm.s32 $0x1;
	[bflag:$0x0] =	sbarrier.arrive $0xFFFF  }
0x6d: {  	s31 =	simm.s32 $0x2;
	[sflag:s1] =	ssyncpa.u1 $0x1  }
0x6e: {  	[sflag:s31] =	ssyncpa.u1 $0x1  }
0x6f: {  	p0 =	sne.s32 s0, $0x0;
	_ =	strace $0x9000004A  }
0x70: {  	s0 =	sadd.s32 @!p0 $0x100000, s2;
	[bflag:$0x2] =	sbarrier.arrive $0xFFFF  }
0x71: {  	[sflag:s0] =	ssyncadd.tile.s32 @!p0 $0x1;
	_ =	shalt  }
.Lfunc_end1:
_tile_overlayer_lowered:
.L_overlay_start_2:
0x72: {  	(tag) =	ssettag $0x2  }
0x73: {  	s0 =	rddreg [dreg:$0x0];
	s2 =	stileid.u32  }
0x74: {  	s1 =	rddreg [dreg:$0x1];
	p0 =	sne.s32 s2, $0x0  }
0x75: {  	s3 =	rddreg [dreg:$0x2];
	[bflag:$0x3] =	sbarrier.arrive $0xFFFF;
	s2 =	simm.s32 @!p0 $0x1C01  }
0x76: {  	[timem:s3], [sflag:s2] =	dma.local @!p0 [hbm:s0], s1  }
0x77: {  	s0 =	simm.s32 @!p0 $0x1  }
0x78: {  	_ =	swait.ge @!p0 [sflag:s0], s1  }
0x79: {  	s1 =	ssub.s32 @!p0 $0x0, s1;
	[sflag:s0] =	ssyncset.done @!p0 $0x0  }
0x7a: {  	[sflag:s0] =	ssyncadd.s32 @!p0 s1  }
0x7b: {  	[bflag:$0x3] =	sbarrier.arrive $0xFFFF  }
0x7c: {  	_ =	shalt  }

// kernel: sparse-core-data-format-call.2.cloned.1.call-start
scs
called_computation.2_lowered:
.L_overlay_start_0:
0x0: {  	s1 =	sld [smem:$0x3FD9]  }
0x1: {  	s2 =	sld [smem:$0x3FFE];
	_ =	sdelay $0x1  }
0x2: {  	s3 =	srdreg.scid  }
0x3: {  	s0 =	sand.u32 $0x1, s3  }
0x4: {  	s17 =	sshll.u32 s0, $0xA;
	s1 =	sadd.s32 s2, s1  }
0x5: {  	s1 =	sadd.s32 s1, s17  }
0x6: {  	[smem:$0x3FBA] =	sst s1  }
0x7: {  	_ = 	snop  }
0x8: {  	(tm) =	ssettm $0x1  }
0x9: {  	s18 =	sld [smem:$0x3FFB];
	_ =	sdelay $0x3  }
0xa: {  	_ =	strace s18  }
0xb: {  	s1 =	sld [smem:$0x3FFC];
	_ =	sdelay $0x3  }
0xc: {  	_ =	strace s1  }
0xd: {  	s1 =	sld [smem:$0x3FFD];
	_ =	sdelay $0x3  }
0xe: {  	_ =	strace s1  }
0xf: {  	_ =	strace $0x8FFFFFFF  }
0x10: {  	s19 =	sld [smem:$0x3FDB];
	_ =	sdelay $0x1  }
0x11: {  	s20 =	simm.s32 $_scs_section_size  }
0x12: {  	s4 =	simm.s32 $_size__tile_overlayer_lowered;
	s5 =	simm.s32 $_tile_overlayer_lowered  }
0x13: {  	s23 =	simm.s32 $0x1BFF;
	s22 =	sshll.u32 s5, $0x1;
	s1 =	sadd.s32 s20, s19  }
0x14: {  	s6 =	simm.s32 $0x0;
	s21 =	sshll.u32 s4, $0x1;
	s4 =	sadd.s32 s22, s1  }
0x15: {  	[timem:s6], [sflag:s23] =	dma.local [hbm:s4], s21  }
0x16: {  	_ =	swait.ge [sflag:s23], s21  }
0x17: {  	s2 =	ssub.s32 $0x0, s21;
	[sflag:s23] =	ssyncset.done $0x0  }
0x18: {  	[sflag:s23] =	ssyncadd.s32 s2;
	_ =	sdelay $0x1  }
0x19: {  	s24 =	simm.s32 $0x1B8B  }
0x1a: {  	_ =	swait.ge [sflag:s24], $0x1  }
0x1b: {  	[sflag:s24] =	ssyncset.done $0x0  }
0x1c: {  	s26 =	simm.s32 $0x1B8E;
	s25 =	sld [smem:$0x3FFE];
	[sflag:s24] =	ssyncadd.s32 $0xFFFFFFFF  }
0x1d: {  	s27 =	simm.s32 $execute0_lowered;
	[smem:$0x3FD2] =	sst s26  }
0x1e: {  	s4 =	sshll.u32 s27, $0x1;
	_ =	strace $0x80000046;
	[dreg:$0x1] =	wrdreg $0xFFFFFFFF  }
0x1f: {  	s28 =	simm.s32 $_size_execute0_lowered;
	s1 =	sadd.s32 s1, s4;
	[dreg:$0x0] =	wrdreg $0x0  }
0x20: {  	s4 =	sshll.u32 s28, $0x1;
	[dreg:$0x2] =	wrdreg s1  }
0x21: {  	[dreg:$0x3] =	wrdreg s4  }
0x22: {  	[dreg:$0x4] =	wrdreg $0xC0  }
0x23: {  	_ =	task [dreg:s6], $0x5FFFF  }
0x24: {  	[dreg:$0x1] =	wrdreg $0xFFFFFFFF  }
0x25: {  	[dreg:$0x0] =	wrdreg $0x60  }
0x26: {  	[dreg:$0x2] =	wrdreg s25  }
0x27: {  	[dreg:$0x3] =	wrdreg $0x9  }
0x28: {  	_ =	task.clear_ibuf [dreg:s6], $0x4FFFF;
	_ =	strace $0x90000046  }
0x29: {  	s29 =	simm.s32 $0x9;
	_ =	strace $0x80000048  }
0x2a: {  	_ =	swait.ge [sflag:s29], $0x1  }
0x2b: {  	[sflag:s29] =	ssyncadd.s32 $0xFFFFFFFF  }
0x2c: {  	_ =	strace $0x90000048  }
0x2d: {  	_ =	sfence  }
0x2e: {  	s30 =	sld [smem:$0x0];
	_ =	sdelay $0x2  }
0x2f: {  	s31 =	sshll.u32 s3, $0xD;
	s3 =	sshrl.u32 s3, $0x2  }
0x30: {  	s2 =	sand.u32 $0x4000, s31;
	s1 =	sadd.s32 s3, s30  }
0x31: {  	s0 =	sor.u32 s2, s0;
	s1 =	sshll.u32 s1, $0x11  }
0x32: {  	s0 =	sor.u32 s1, s0  }
0x33: {  	s0 =	sadd.s32 $0x8F2B, s0  }
0x34: {  	[sflag:s0] =	ssyncadd.remote.s32 $0x1  }
0x35: {  	_ =	sfence.sel $0xFFFF  }
0x36: {  	[dreg:$0x0] =	wrdreg $0xFFFFFFFF;
	(pc) =	sbr.abs _section_cstart, $3  }
0x37: {  	[dreg:$0x1] =	wrdreg $0xFFFFFFFF  }
0x38: {  	_ =	task.clear_ibuf [dreg:s6], $0x2FFFF;
	_ =	strace $0x9FFFFFFF  }
0x39: {  	(tm) =	ssettm $0x7FFFFFFF  }
tec
execute0_lowered:
.L_overlay_start_1:
0x0: {  	(tag) =	ssettag $0x1  }
0x1: {  	s0 =	stileid.u32  }
0x2: {  	s1 =	srdreg.scid;
	s5 =	rddreg [dreg:$0x0];
	s4 =	simm.s32 $0x1  }
0x3: {  	s7 =	simm.s32 $0x2;
	s16 =	simm.s32 $0x0;
	p0 =	por $0x0, $0x0  }
0x4: {  	s9 =	simm.s32 $0x17800;
	s2 =	sshll.u32 s0, $0x5;
	s1 =	sshll.u32 s1, $0x9  }
0x5: {  	s14 =	simm.s32 $0x0;
	s15 =	simm.s32 $0x0;
	s2 =	sor.u32 s2, s1  }
0x6: {  	s12 =	simm.s32 $0x0;
	s13 =	simm.s32 $0x0;
	s2 =	sand.u32 $0x380, s2  }
.Ltmp0:
0x7: {  	s3 =	sadd.s32 $0x180000, s5;
	s6 =	ssub.s32 $0x2E80, s2;
	(pc) =	sbr.rel .LBB1_1-.Ltmp0, $4  }
0x8: {  	s1 =	rddreg [dreg:$0x1];
	_ =	strace $0x80000047;
	s6 =	sshrl.u32 s6, $0xA  }
0x9: {  	s5 =	sadd.s32 $0x9000, s5;
	[sflag:s4] =	ssyncpa.u1 $0x0;
	s8 =	smul.u32 $0x3, s6  }
0xa: {  	[sflag:s7] =	ssyncpa.u1 $0x0;
	s10 =	smov.u32 s2;
	s6 =	sand.u32 $0x3, s0  }
0xb: {  	s11 =	smov.u32 s6;
	s7 =	sadd.s32 $0x3, s8;
	s8 =	sadd.s32 $0x4, s8  }
.LBB1_5:
0xc: {  	s17 =	sadd.s32 $0x400, s10  }
0xd: {  	s14 =	sadd.s32 $0x4, s11;
	s18 =	smov.u32 s11;
	p2 =	sgt.s32 s17, $0x2EDF  }
0xe: {  	s18 =	smov.u32 @p2 s14  }
0xf: {  	s14 =	simm.s32 $0x1;
	p3 =	sgt.s32 s18, $0x3  }
0x10: {  	s14 =	simm.s32 @!p3 $0x0  }
0x11: {  	s20 =	sadd.s32 s14, s12  }
0x12: {  	s17 =	smov.u32 @p2 s2;
	p2 =	sgt.s32 s20, $0x2  }
0x13: {  	p1 =	slt.u32 s13, $0x2;
	s20 =	simm.s32 @p2 $0x0;
	p2 =	sne.s32 s13, s8  }
.Ltmp1:
0x14: {  	s19 =	simm.s32 @!p1 $0x2;
	(pc) =	sbr.rel @!p2 .LBB1_6-.Ltmp1, $4  }
0x15: {  	s16 =	smov.u32 s10;
	s15 =	smov.u32 s12;
	_ =	swait.ge @!p1 [sflag:s19], $0x2000  }
0x16: {  	p0 =	por !p0, !p0;
	[sflag:s19] =	ssyncset.done @!p1 $0x0;
	s10 =	smov.u32 s17  }
0x17: {  	s18 =	smov.u32 @p3 s6;
	[sflag:s19] =	ssyncadd.s32 @!p1 $0xFFFFE000;
	s14 =	smov.u32 s11  }
0x18: {  	s11 =	smov.u32 s18;
	s13 =	sadd.s32 $0x1, s13;
	s12 =	smov.u32 s20  }
.LBB1_1:
0x19: {  	p1 =	sge.u32 s13, s7;
	s19 =	smov.u32 s12  }
0x1a: {  	s21 =	smov.u32 s11;
	s17 =	sand.u32 @!p1 $0x1FFFFFF, s10;
	p2 =	sgt.s32 @!p1 s12, $0x2  }
0x1b: {  	s20 =	sshra.s32 @!p1 s12, $0x1F;
	s22 =	sshra.s32 @!p1 s11, $0x1F;
	p2 =	por !p2, p1  }
0x1c: {  	s18 =	smulhi.u32 @!p1 $0x2BB0CF9, s17;
	s19 =	simm.s32 @p2 $0x2;
	p2 =	sgt.s32 @!p1 s11, $0x3  }
0x1d: {  	s20 =	sand.u32 @!p1 s20, s12;
	s22 =	sand.u32 @!p1 s22, s11;
	p2 =	por !p2, p1  }
0x1e: {  	s18 =	sshrl.u32 @!p1 s18, $0x7;
	s19 =	ssub.s32 @!p1 s19, s20;
	s21 =	simm.s32 @p2 $0x3  }
0x1f: {  	p2 =	sgt.s32 @!p1 s10, $0x2E60;
	s19 =	sadd.s32 @!p1 $0xFFFFFFFE, s19;
	s20 =	ssub.s32 @!p1 s21, s22  }
0x20: {  	p2 =	por !p2, p1;
	s22 =	smov.u32 s10;
	s21 =	sadd.s32 @!p1 $0xFFFFFFFD, s20  }
0x21: {  	s22 =	simm.s32 @p2 $0x2E60;
	p3 =	sgt.s32 @!p1 s21, $0x0;
	s21 =	sshra.s32 @!p1 s10, $0x1F  }
0x22: {  	p2 =	sgt.s32 @!p1 s19, $0x0;
	s19 =	sshll.u32 @!p1 s19, $0x6;
	s21 =	sand.u32 @!p1 s21, s10  }
0x23: {  	s20 =	ssub.s32 @!p1 $0x4, s20;
	s19 =	ssub.s32 @!p1 $0x40, s19;
	s21 =	ssub.s32 @!p1 s22, s21  }
0x24: {  	p2 =	por !p2, p1;
	p3 =	por !p3, p1;
	s22 =	sadd.s32 @!p1 $0xFFFFD1A0, s21  }
0x25: {  	s19 =	simm.s32 @!p2 $0x0;
	s20 =	simm.s32 @!p3 $0x0;
	p3 =	sgt.s32 @!p1 s22, $0x7F  }
0x26: {  	s21 =	ssub.s32 @!p1 $0x2EE0, s21;
	s19 =	smul.u32 @!p1 s20, s19;
	p2 =	por !p3, p1  }
0x27: {  	s18 =	smul.u32 @!p1 $0x2EE0, s18;
	s21 =	simm.s32 @!p2 $0x0  }
0x28: {  	s19 =	smul.u32 @!p1 s21, s19  }
0x29: {  	s21 =	smul.u32 @!p1 $0xBB800, s12  }
0x2a: {  	s17 =	ssub.s32 @!p1 s17, s18;
	s20 =	sxor.u32 @!p1 $0xFFFFFFFF, s13;
	s22 =	smul.u32 @!p1 $0x2EE00, s11  }
0x2b: {  	s17 =	sshll.u32 @!p1 s17, $0x4;
	s20 =	sshll.u32 @!p1 s20, $0xD;
	s18 =	sadd.s32 @!p1 s3, s21  }
0x2c: {  	s20 =	sand.u32 @!p1 $0x2000, s20;
	s19 =	sand.u32 @!p1 $0x3FFFFFC0, s19;
	s18 =	sadd.s32 @!p1 s22, s18  }
0x2d: {  	s21 =	simm.s32 @!p1 $0x80;
	s17 =	sadd.s32 @!p1 s17, s18;
	s18 =	simm.s32 @!p1 $0x40  }
0x2e: {  	[tilespmem:s20], [sflag:$0x1] =	stream.strided.gather @!p1 [hbm4b:s17+s18], s19, s21, s18, $0x38;
	[tilespmem:$0x8080] =	vst v63  }
0x2f: {  	p1 =	seq.s32 s13, $0x0  }
0x30: {  	p2 =	sge.u32 @!p1 s13, s8  }
0x31: {  	p1 =	por p1, p2  }
.Ltmp2:
0x32: {  	_ = 	snop;
	(pc) =	sbr.rel @p1 .LBB1_5-.Ltmp2, $1  }
0x33: {  	_ =	sdelay $0x3  }
0x34: {  	p1 =	sgt.s32 s15, $0x2  }
0x35: {  	s17 =	smov.u32 s15;
	s18 =	sshra.s32 s15, $0x1F;
	s19 =	sshra.s32 s14, $0x1F  }
0x36: {  	p2 =	sgt.s32 s16, $0x2E60;
	s17 =	simm.s32 @!p1 $0x2;
	s18 =	sand.u32 s18, s15  }
0x37: {  	s21 =	sshra.s32 s16, $0x1F;
	p1 =	sgt.s32 s14, $0x3;
	s17 =	ssub.s32 s17, s18  }
0x38: {  	s19 =	sand.u32 s19, s14;
	s18 =	smov.u32 s14;
	s17 =	sadd.s32 $0xFFFFFFFE, s17  }
0x39: {  	s26 =	sand.u32 s21, s16;
	s18 =	simm.s32 @!p1 $0x3;
	p1 =	sgt.s32 s17, $0x0  }
0x3a: {  	s18 =	ssub.s32 s18, s19;
	s19 =	smov.u32 s16;
	s17 =	sshll.u32 s17, $0x6  }
0x3b: {  	s20 =	sadd.s32 $0xFFFFFFFD, s18;
	s19 =	simm.s32 @!p2 $0x2E60;
	s18 =	ssub.s32 $0x4, s18  }
0x3c: {  	s17 =	ssub.s32 $0x40, s17;
	p2 =	sgt.s32 s20, $0x0;
	s19 =	ssub.s32 s19, s26  }
0x3d: {  	s17 =	simm.s32 @p1 $0x0;
	s18 =	simm.s32 @p2 $0x0;
	s20 =	sadd.s32 $0xFFFFD1A0, s19  }
0x3e: {  	s19 =	ssub.s32 $0x2EE0, s19;
	p1 =	sgt.s32 s20, $0x7F;
	s17 =	smul.u32 s18, s17  }
0x3f: {  	s19 =	simm.s32 @p1 $0x0  }
0x40: {  	s17 =	smul.u32 s19, s17;
	_ =	sdelay $0x1  }
0x41: {  	s18 =	simm.s32 $0x1;
	s17 =	sand.u32 $0x3FFFFFC0, s17  }
0x42: {  	s18 =	simm.s32 @!p0 $0x0;
	_ =	swait.ge [sflag:s4], s17  }
0x43: {  	s27 =	sshll.u32 s18, $0xD;
	s17 =	ssub.s32 $0x0, s17;
	[sflag:s4] =	ssyncset.done $0x0  }
0x44: {  	s28 =	sor.u32 $0x20, s27;
	[sflag:s4] =	ssyncadd.s32 s17  }
0x45: {  	s29 =	smul.u32 $0x8100, s18;
	v3 =	vld [tilespmem:s28+$0x10]  }
0x46: {  	s30 =	sand.u32 $0x1, s13;
	v2 =	vld [tilespmem:s28+$0xFFFFFFF0]  }
0x47: {  	s18 =	smul.u32 $0x8100, s30;
	s17 =	sshrl.u32 s29, $0x2;
	v0 =	vld [tilespmem:s28+$0x0]  }
0x48: {  	s19 =	sor.u32 $0x4000, s17;
	v1 =	vld [tilespmem:s28+$0xFFFFFFE0]  }
0x49: {  	s31 =	sshrl.u32 s18, $0x2;
	s18 =	sadd.s32 $0x0, s19  }
0x4a: {  	s20 =	simm.s32 $0x4;
	s21 =	sadd.s32 $0x40, s28;
	s17 =	sor.u32 $0x4000, s31;
	[tilespmem:s18+$0x1830 ss:$0x81] =	vst.msk $0xffff, v3  }
.LBB1_3:
0x4b: {  	v3 =	vld [tilespmem:s21+$0x10];
	p1 =	sne.s32 s20, $0x1FC;
	[tilespmem:s18+$0x810 ss:$0x81] =	vst.msk $0xffff, v2;
	s22 =	smov.u32 s20;
	s20 =	sadd.s32 $0x4, s20  }
.Ltmp3:
0x4c: {  	v2 =	vld [tilespmem:s21+$0xFFFFFFF0];
	[tilespmem:s18+$0x1020 ss:$0x81] =	vst.msk $0xffff, v0;
	(pc) =	sbr.rel @p1 .LBB1_3-.Ltmp3, $4  }
0x4d: {  	v0 =	vld [tilespmem:s21+$0x0];
	[tilespmem:s18+$0x0 ss:$0x81] =	vst.msk $0xffff, v1  }
0x4e: {  	s18 =	sshra.s32 s22, $0x2;
	v1 =	vld [tilespmem:s21+$0xFFFFFFE0]  }
0x4f: {  	s18 =	sadd.s32 s18, s19  }
0x50: {  	s21 =	sadd.s32 $0x40, s21;
	[tilespmem:s18+$0x1830 ss:$0x81] =	vst.msk $0xffff, v3  }
0x51: {  	s19 =	sshll.u32 s16, $0x3  }
0x52: {  	s30 =	sand.u32 $0x7F, s16;
	s19 =	sand.u32 $0xFFFFFC00, s19  }
0x53: {  	s16 =	sor.u32 s30, s19;
	s19 =	smulhi.u32 $0xAE4C415D, s19  }
0x54: {  	s20 =	smulhi.u32 $0xAE4C415D, s16  }
0x55: {  	s15 =	smul.u32 $0x17800, s15  }
0x56: {  	s14 =	smul.u32 $0x46800, s14;
	s19 =	sshrl.u32 s19, $0xD;
	s20 =	sshrl.u32 s20, $0xD  }
0x57: {  	s19 =	sand.u32 $0x3F, s19;
	s20 =	smul.u32 $0x2F00, s20  }
0x58: {  	s19 =	smul.u32 $0x5E0, s19  }
.Ltmp4:
0x59: {  	s15 =	sadd.s32 s5, s15;
	s16 =	ssub.s32 s16, s20;
	(pc) =	sbr.rel .LBB1_5-.Ltmp4, $4  }
0x5a: {  	[tilespmem:s18+$0x810 ss:$0x81] =	vst.msk $0xffff, v2;
	s14 =	sadd.s32 s14, s15;
	s31 =	sand.u32 $0x7, s16  }
0x5b: {  	[tilespmem:s18+$0x1020 ss:$0x81] =	vst.msk $0xffff, v0;
	s14 =	sadd.s32 s19, s14;
	s16 =	sshrl.u32 s16, $0x3;
	s15 =	sshll.u32 s31, $0x12  }
0x5c: {  	[tilespmem:s18+$0x0 ss:$0x81] =	vst.msk $0xffff, v1;
	s14 =	sadd.s32 s16, s14;
	s15 =	sor.u32 $0x400, s15  }
0x5d: {  	[hbm4b:s14+s15] =	stream.strided.scatter [tilespmem:s17], [sflag:$0x2], $0x2000, s9, s15, $0x20;
	[tilespmem:$0x8080] =	vst v63  }
.LBB1_6:
0x5e: {  	_ =	sfence.sel $0x180000  }
0x5f: {  	s2 =	simm.s32 $0x1;
	[bflag:$0x0] =	sbarrier.arrive $0xFFFF  }
0x60: {  	s31 =	simm.s32 $0x2;
	[sflag:s2] =	ssyncpa.u1 $0x1  }
0x61: {  	[sflag:s31] =	ssyncpa.u1 $0x1  }
0x62: {  	p0 =	sne.s32 s0, $0x0;
	_ =	strace $0x90000047  }
0x63: {  	s0 =	sadd.s32 @!p0 $0x100000, s1;
	[bflag:$0x2] =	sbarrier.arrive $0xFFFF  }
0x64: {  	[sflag:s0] =	ssyncadd.tile.s32 @!p0 $0x1;
	_ =	shalt  }
.Lfunc_end1:
_tile_overlayer_lowered:
.L_overlay_start_2:
0x65: {  	(tag) =	ssettag $0x2  }
0x66: {  	s0 =	rddreg [dreg:$0x0];
	s2 =	stileid.u32  }
0x67: {  	s1 =	rddreg [dreg:$0x1];
	p0 =	sne.s32 s2, $0x0  }
0x68: {  	s3 =	rddreg [dreg:$0x2];
	[bflag:$0x3] =	sbarrier.arrive $0xFFFF;
	s2 =	simm.s32 @!p0 $0x1C01  }
0x69: {  	[timem:s3], [sflag:s2] =	dma.local @!p0 [hbm:s0], s1  }
0x6a: {  	s0 =	simm.s32 @!p0 $0x1  }
0x6b: {  	_ =	swait.ge @!p0 [sflag:s0], s1  }
0x6c: {  	s1 =	ssub.s32 @!p0 $0x0, s1;
	[sflag:s0] =	ssyncset.done @!p0 $0x0  }
0x6d: {  	[sflag:s0] =	ssyncadd.s32 @!p0 s1  }
0x6e: {  	[bflag:$0x3] =	sbarrier.arrive $0xFFFF  }
0x6f: {  	_ =	shalt  }

// kernel: sparse-core-data-format-call.cloned.1.call-start
scs
called_computation_lowered:
.L_overlay_start_0:
0x0: {  	s1 =	sld [smem:$0x3FD9]  }
0x1: {  	s2 =	sld [smem:$0x3FFE];
	_ =	sdelay $0x1  }
0x2: {  	s3 =	srdreg.scid  }
0x3: {  	s0 =	sand.u32 $0x1, s3  }
0x4: {  	s17 =	sshll.u32 s0, $0xA;
	s1 =	sadd.s32 s2, s1  }
0x5: {  	s1 =	sadd.s32 s1, s17  }
0x6: {  	[smem:$0x3FBA] =	sst s1  }
0x7: {  	_ = 	snop  }
0x8: {  	(tm) =	ssettm $0x1  }
0x9: {  	s18 =	sld [smem:$0x3FFB];
	_ =	sdelay $0x3  }
0xa: {  	_ =	strace s18  }
0xb: {  	s1 =	sld [smem:$0x3FFC];
	_ =	sdelay $0x3  }
0xc: {  	_ =	strace s1  }
0xd: {  	s1 =	sld [smem:$0x3FFD];
	_ =	sdelay $0x3  }
0xe: {  	_ =	strace s1  }
0xf: {  	_ =	strace $0x8FFFFFFF  }
0x10: {  	s19 =	sld [smem:$0x3FDB];
	_ =	sdelay $0x1  }
0x11: {  	s20 =	simm.s32 $_scs_section_size  }
0x12: {  	s4 =	simm.s32 $_size__tile_overlayer_lowered;
	s5 =	simm.s32 $_tile_overlayer_lowered  }
0x13: {  	s23 =	simm.s32 $0x1BFF;
	s22 =	sshll.u32 s5, $0x1;
	s1 =	sadd.s32 s20, s19  }
0x14: {  	s6 =	simm.s32 $0x0;
	s21 =	sshll.u32 s4, $0x1;
	s4 =	sadd.s32 s22, s1  }
0x15: {  	[timem:s6], [sflag:s23] =	dma.local [hbm:s4], s21  }
0x16: {  	_ =	swait.ge [sflag:s23], s21  }
0x17: {  	s2 =	ssub.s32 $0x0, s21;
	[sflag:s23] =	ssyncset.done $0x0  }
0x18: {  	[sflag:s23] =	ssyncadd.s32 s2;
	_ =	sdelay $0x1  }
0x19: {  	s24 =	simm.s32 $0x1B8B  }
0x1a: {  	_ =	swait.ge [sflag:s24], $0x1  }
0x1b: {  	[sflag:s24] =	ssyncset.done $0x0  }
0x1c: {  	s26 =	simm.s32 $0x1B8E;
	s25 =	sld [smem:$0x3FFE];
	[sflag:s24] =	ssyncadd.s32 $0xFFFFFFFF  }
0x1d: {  	s27 =	simm.s32 $execute0_lowered;
	[smem:$0x3FD2] =	sst s26  }
0x1e: {  	s4 =	sshll.u32 s27, $0x1;
	_ =	strace $0x8000004C;
	[dreg:$0x1] =	wrdreg $0xFFFFFFFF  }
0x1f: {  	s28 =	simm.s32 $_size_execute0_lowered;
	s1 =	sadd.s32 s1, s4;
	[dreg:$0x0] =	wrdreg $0x0  }
0x20: {  	s4 =	sshll.u32 s28, $0x1;
	[dreg:$0x2] =	wrdreg s1  }
0x21: {  	[dreg:$0x3] =	wrdreg s4  }
0x22: {  	[dreg:$0x4] =	wrdreg $0xC0  }
0x23: {  	_ =	task [dreg:s6], $0x5FFFF  }
0x24: {  	[dreg:$0x1] =	wrdreg $0xFFFFFFFF  }
0x25: {  	[dreg:$0x0] =	wrdreg $0x60  }
0x26: {  	[dreg:$0x2] =	wrdreg s25  }
0x27: {  	[dreg:$0x3] =	wrdreg $0x9  }
0x28: {  	_ =	task.clear_ibuf [dreg:s6], $0x4FFFF;
	_ =	strace $0x9000004C  }
0x29: {  	s29 =	simm.s32 $0x9;
	_ =	strace $0x8000004E  }
0x2a: {  	_ =	swait.ge [sflag:s29], $0x1  }
0x2b: {  	[sflag:s29] =	ssyncadd.s32 $0xFFFFFFFF  }
0x2c: {  	_ =	strace $0x9000004E  }
0x2d: {  	_ =	sfence  }
0x2e: {  	s30 =	sld [smem:$0x0];
	_ =	sdelay $0x2  }
0x2f: {  	s31 =	sshll.u32 s3, $0xD;
	s3 =	sshrl.u32 s3, $0x2  }
0x30: {  	s2 =	sand.u32 $0x4000, s31;
	s1 =	sadd.s32 s3, s30  }
0x31: {  	s0 =	sor.u32 s2, s0;
	s1 =	sshll.u32 s1, $0x11  }
0x32: {  	s0 =	sor.u32 s1, s0  }
0x33: {  	s0 =	sadd.s32 $0x8F2B, s0  }
0x34: {  	[sflag:s0] =	ssyncadd.remote.s32 $0x1  }
0x35: {  	_ =	sfence.sel $0xFFFF  }
0x36: {  	[dreg:$0x0] =	wrdreg $0xFFFFFFFF;
	(pc) =	sbr.abs _section_cstart, $3  }
0x37: {  	[dreg:$0x1] =	wrdreg $0xFFFFFFFF  }
0x38: {  	_ =	task.clear_ibuf [dreg:s6], $0x2FFFF;
	_ =	strace $0x9FFFFFFF  }
0x39: {  	(tm) =	ssettm $0x7FFFFFFF  }
tec
execute0_lowered:
.L_overlay_start_1:
0x0: {  	(tag) =	ssettag $0x1  }
0x1: {  	s0 =	srdreg.scid  }
0x2: {  	s6 =	rddreg [dreg:$0x0];
	s1 =	sshll.u32 s0, $0x4  }
0x3: {  	s3 =	simm.s32 $0x1;
	s0 =	stileid.u32;
	s1 =	sand.u32 $0x10, s1  }
0x4: {  	s7 =	simm.s32 $0x2;
	s14 =	simm.s32 $0x0;
	s1 =	sor.u32 s0, s1  }
0x5: {  	s8 =	simm.s32 $0x17800;
	s13 =	simm.s32 $0x0;
	s2 =	sshll.u32 s1, $0x3  }
0x6: {  	s15 =	simm.s32 $0x0;
	s9 =	simm.s32 $0x0;
	s5 =	ssub.s32 $0xE0, s2  }
0x7: {  	s11 =	simm.s32 $0x0;
	s12 =	simm.s32 $0x0;
	p0 =	sgt.s32 s5, $0x0  }
.Ltmp0:
0x8: {  	s4 =	sadd.s32 $0x29A000, s6;
	s5 =	simm.s32 @!p0 $0x0;
	(pc) =	sbr.rel .LBB1_1-.Ltmp0, $4  }
0x9: {  	s6 =	sadd.s32 $0x52C000, s6;
	s1 =	rddreg [dreg:$0x1];
	s5 =	sand.u32 $0xF8, s5  }
0xa: {  	_ =	strace $0x8000004D;
	p0 =	seq.s32 s5, $0x0;
	s5 =	simm.s32 $0x0  }
0xb: {  	[sflag:s3] =	ssyncpa.u1 $0x0;
	s10 =	smov.u32 s2;
	s5 =	simm.s32 @!p0 $0x2F  }
0xc: {  	[sflag:s7] =	ssyncpa.u1 $0x0;
	p0 =	por $0x0, $0x0;
	s7 =	sadd.s32 $0x1, s5  }
.LBB1_7:
0xd: {  	s16 =	sadd.s32 $0x200, s9  }
0xe: {  	s13 =	sadd.s32 $0x100, s10;
	s17 =	smov.u32 s10;
	p2 =	sgt.s32 s16, $0x5DBF  }
0xf: {  	s17 =	smov.u32 @p2 s13  }
0x10: {  	s19 =	smov.u32 s11;
	s13 =	sadd.s32 $0x4, s11;
	p3 =	sgt.s32 s17, $0xDF  }
0x11: {  	s19 =	smov.u32 @p3 s13  }
0x12: {  	s16 =	simm.s32 @p2 $0x0;
	p2 =	sgt.s32 s19, $0x3  }
0x13: {  	p1 =	slt.u32 s12, $0x2;
	s19 =	simm.s32 @p2 $0x0;
	p2 =	sne.s32 s12, s7  }
.Ltmp1:
0x14: {  	s18 =	simm.s32 @!p1 $0x2;
	(pc) =	sbr.rel @!p2 .LBB1_8-.Ltmp1, $4  }
0x15: {  	s14 =	smov.u32 s9;
	s15 =	smov.u32 s11;
	_ =	swait.ge @!p1 [sflag:s18], $0x4000  }
0x16: {  	p0 =	por !p0, !p0;
	[sflag:s18] =	ssyncset.done @!p1 $0x0;
	s9 =	smov.u32 s16  }
0x17: {  	s17 =	smov.u32 @p3 s2;
	s13 =	smov.u32 s10;
	[sflag:s18] =	ssyncadd.s32 @!p1 $0xFFFFC000  }
0x18: {  	s10 =	smov.u32 s17;
	s12 =	sadd.s32 $0x1, s12;
	s11 =	smov.u32 s19  }
.LBB1_1:
0x19: {  	p1 =	sge.u32 s12, s5  }
0x1a: {  	s16 =	sshrl.u32 @!p1 s10, $0x3  }
0x1b: {  	s17 =	sshll.u32 @!p1 s9, $0x3;
	s16 =	smul.u32 @!p1 $0x2F000, s16  }
0x1c: {  	s18 =	sshll.u32 @!p1 s10, $0x7;
	s17 =	sand.u32 @!p1 $0xFFFFFC00, s17  }
0x1d: {  	s16 =	sadd.s32 @!p1 s16, s17;
	s17 =	sand.u32 @!p1 $0x380, s18  }
0x1e: {  	s16 =	sor.u32 @!p1 s17, s16  }
0x1f: {  	s17 =	sand.u32 @!p1 $0x7F, s9;
	s18 =	smulhi.u32 @!p1 $0xAE4C415D, s16  }
0x20: {  	s16 =	sor.u32 @!p1 s17, s16  }
0x21: {  	s17 =	smulhi.u32 @!p1 $0xAE4C415D, s16;
	s18 =	sshrl.u32 @!p1 s18, $0xE  }
0x22: {  	s19 =	smulhi.u32 @!p1 $0x124924A, s18;
	_ =	sdelay $0x1  }
0x23: {  	s17 =	sshrl.u32 @!p1 s17, $0xE;
	s19 =	smul.u32 @!p1 $0xE0, s19  }
0x24: {  	s31 =	sadd.s32 $0xFFFFFFFF, s12;
	s17 =	smul.u32 @!p1 $0x5E00, s17  }
0x25: {  	s20 =	sxor.u32 @!p1 $0xFFFFFFFF, s12;
	s18 =	ssub.s32 @!p1 s18, s19;
	s19 =	smul.u32 @!p1 $0xA4800, s11  }
0x26: {  	s20 =	sshll.u32 @!p1 s20, $0xE;
	s16 =	ssub.s32 @!p1 s16, s17;
	s17 =	smul.u32 @!p1 $0xBC0, s18  }
0x27: {  	s18 =	sand.u32 @!p1 $0x4000, s20;
	s20 =	sand.u32 @!p1 $0x7, s16;
	s19 =	sadd.s32 @!p1 s4, s19  }
0x28: {  	s16 =	sshrl.u32 @!p1 s16, $0x3;
	s17 =	sadd.s32 @!p1 s17, s19;
	s19 =	sshll.u32 @!p1 s20, $0x12  }
0x29: {  	s16 =	sadd.s32 @!p1 s16, s17;
	s17 =	sor.u32 @!p1 $0x1000, s19;
	s19 =	simm.s32 @!p1 $0x524000  }
0x2a: {  	[tilespmem:s18], [sflag:$0x1] =	stream.strided.gather @!p1 [hbm4b:s16+s17], $0x4000, s19, s17, $0x38;
	[tilespmem:$0x10000] =	vst v63  }
0x2b: {  	p1 =	sge.u32 s31, s5  }
.Ltmp2:
0x2c: {  	_ = 	snop;
	(pc) =	sbr.rel @p1 .LBB1_7-.Ltmp2, $1  }
0x2d: {  	_ =	sdelay $0x3  }
0x2e: {  	s16 =	simm.s32 $0x1  }
0x2f: {  	_ =	swait.ge [sflag:s3], $0x4000;
	s19 =	sshll.u32 s12, $0xE;
	s20 =	simm.s32 $0x0  }
0x30: {  	s21 =	simm.s32 $0x0;
	s16 =	simm.s32 @!p0 $0x0;
	[sflag:s3] =	ssyncset.done $0x0  }
0x31: {  	s19 =	sand.u32 $0x4000, s19;
	s16 =	sshll.u32 s16, $0xE;
	[sflag:s3] =	ssyncadd.s32 $0xFFFFC000  }
0x32: {  	s17 =	sor.u32 $0x8400, s16;
	s18 =	sor.u32 $0x810, s16;
	s16 =	sor.u32 $0x8000, s19  }
.LBB1_3:
0x33: {  	v4 =	vld [tilespmem:s18+$0xFFFFF7F0]  }
0x34: {  	v5 =	vld [tilespmem:s18+$0xFFFFF800]  }
0x35: {  	s22 =	sshll.u32 s21, $0xC;
	v6 =	vld [tilespmem:s18+$0xFFFFF810]  }
0x36: {  	v0 =	vmov s22  }
0x37: {  	v7 =	vld [tilespmem:s18+$0xFFFFF820]  }
0x38: {  	s31 =	sand.u32 $0x200, s20;
	[tilespmem:s17+$0xFFFFFC00] =	vst v4;
	v4 =	vld [tilespmem:s18+$0xFFFFF860]  }
0x39: {  	s23 =	sand.u32 $0x180, s20;
	s22 =	sadd.s32 s31, s19;
	[tilespmem:s17+$0xFFFFFC10] =	vst v5;
	v5 =	vld [tilespmem:s18+$0xFFFFFC00]  }
0x3a: {  	s22 =	sadd.s32 s23, s22;
	[tilespmem:s17+$0xFFFFFC20] =	vst v6;
	v6 =	vld [tilespmem:s18+$0xFFFFFC10]  }
0x3b: {  	v1 =	vld.idx.msk [tilespmem:v0+s22+$0xC00 ss:$0x1], $0xffff  }
0x3c: {  	v2 =	vld.idx.msk [tilespmem:v0+s22+$0x400 ss:$0x1], $0xffff  }
0x3d: {  	[tilespmem:s17+$0xFFFFFC30] =	vst v7;
	v3 =	vld.idx.msk [tilespmem:v0+s22+$0x800 ss:$0x1], $0xffff  }
0x3e: {  	v7 =	vld [tilespmem:s18+$0x40];
	[tilespmem:s17+$0xFFFFFC70] =	vst v4  }
0x3f: {  	v4 =	vld [tilespmem:s18+$0xFFFFFC50];
	[tilespmem:s17+$0xFFFFFE10] =	vst v5  }
0x40: {  	[tilespmem:s17+$0x200] =	vst v1;
	v1 =	vld [tilespmem:s18+$0xFFFFF830]  }
0x41: {  	[tilespmem:s17+$0xFFFFFE00] =	vst v2;
	v2 =	vld [tilespmem:s18+$0xFFFFF840]  }
0x42: {  	[tilespmem:s17+$0x0] =	vst v3;
	v3 =	vld [tilespmem:s18+$0xFFFFF850]  }
0x43: {  	v5 =	vld [tilespmem:s18+$0xFFFFFC60];
	[tilespmem:s17+$0xFFFFFE20] =	vst v6  }
0x44: {  	v6 =	vld [tilespmem:s18+$0x0];
	[tilespmem:s17+$0x50] =	vst v7  }
0x45: {  	[tilespmem:s17+$0xFFFFFC40] =	vst v1;
	v1 =	vld [tilespmem:s18+$0xFFFFFC20]  }
0x46: {  	[tilespmem:s17+$0xFFFFFC50] =	vst v2;
	v2 =	vld [tilespmem:s18+$0xFFFFFC30]  }
0x47: {  	[tilespmem:s17+$0xFFFFFC60] =	vst v3;
	v3 =	vld [tilespmem:s18+$0xFFFFFC40]  }
0x48: {  	[tilespmem:s17+$0xFFFFFE70] =	vst v5;
	v5 =	vld [tilespmem:s18+$0x50]  }
0x49: {  	[tilespmem:s17+$0x10] =	vst v6;
	v6 =	vld [tilespmem:s18+$0x60]  }
0x4a: {  	[tilespmem:s17+$0xFFFFFE30] =	vst v1;
	v1 =	vld [tilespmem:s18+$0x10]  }
0x4b: {  	[tilespmem:s17+$0xFFFFFE40] =	vst v2;
	v2 =	vld [tilespmem:s18+$0x20]  }
0x4c: {  	[tilespmem:s17+$0xFFFFFE50] =	vst v3;
	v3 =	vld [tilespmem:s18+$0x30]  }
0x4d: {  	[tilespmem:s17+$0xFFFFFE60] =	vst v4;
	v4 =	vld [tilespmem:s18+$0x400]  }
0x4e: {  	[tilespmem:s17+$0x60] =	vst v5;
	v5 =	vld [tilespmem:s18+$0x440]  }
0x4f: {  	[tilespmem:s17+$0x20] =	vst v1;
	v1 =	vld [tilespmem:s18+$0x410]  }
0x50: {  	s25 =	simm.s32 $0x80;
	s24 =	simm.s32 $0x100;
	[tilespmem:s17+$0x30] =	vst v2;
	v2 =	vld [tilespmem:s18+$0x420]  }
0x51: {  	s26 =	sand.u32 $0x200, s25;
	s23 =	smov.u32 s18;
	s22 =	smov.u32 s17;
	[tilespmem:s17+$0x40] =	vst v3;
	v3 =	vld [tilespmem:s18+$0x430]  }
.LBB1_4:
0x52: {  	p1 =	sne.s32 s24, $0x380;
	s25 =	sand.u32 $0x180, s25;
	s26 =	sadd.s32 s26, s19;
	[tilespmem:s22+$0x70] =	vst v6;
	v6 =	vld [tilespmem:s23+$0x450]  }
0x53: {  	s26 =	sadd.s32 s25, s26;
	[tilespmem:s22+$0x210] =	vst v4;
	v4 =	vld [tilespmem:s23+$0x460];
	s25 =	smov.u32 s24  }
0x54: {  	v7 =	vld.idx.msk [tilespmem:v0+s26+$0xC00 ss:$0x1], $0xffff;
	[tilespmem:s22+$0x220] =	vst v1  }
0x55: {  	v1 =	vld.idx.msk [tilespmem:v0+s26+$0x400 ss:$0x1], $0xffff;
	[tilespmem:s22+$0x230] =	vst v2  }
0x56: {  	s23 =	sadd.s32 $0x80, s23;
	v2 =	vld.idx.msk [tilespmem:v0+s26+$0x800 ss:$0x1], $0xffff;
	[tilespmem:s22+$0x240] =	vst v3  }
0x57: {  	v3 =	vld [tilespmem:s23+$0xFFFFF7F0];
	[tilespmem:s22+$0x250] =	vst v5  }
0x58: {  	v5 =	vld [tilespmem:s23+$0xFFFFF800];
	[tilespmem:s22+$0x260] =	vst v6  }
0x59: {  	v6 =	vld [tilespmem:s23+$0xFFFFF810];
	[tilespmem:s22+$0x270] =	vst v4;
	s22 =	sadd.s32 $0x800, s22  }
0x5a: {  	v4 =	vld [tilespmem:s23+$0xFFFFF820];
	[tilespmem:s22+$0x200] =	vst v7  }
0x5b: {  	v7 =	vld [tilespmem:s23+$0xFFFFF830];
	[tilespmem:s22+$0xFFFFFE00] =	vst v1  }
0x5c: {  	v1 =	vld [tilespmem:s23+$0xFFFFF840];
	[tilespmem:s22+$0x0] =	vst v2  }
0x5d: {  	[tilespmem:s22+$0xFFFFFC00] =	vst v3;
	v2 =	vld [tilespmem:s23+$0xFFFFF850]  }
0x5e: {  	[tilespmem:s22+$0xFFFFFC10] =	vst v5;
	v3 =	vld [tilespmem:s23+$0xFFFFF860]  }
0x5f: {  	[tilespmem:s22+$0xFFFFFC20] =	vst v6;
	v5 =	vld [tilespmem:s23+$0xFFFFFC00]  }
0x60: {  	[tilespmem:s22+$0xFFFFFC30] =	vst v4;
	v4 =	vld [tilespmem:s23+$0xFFFFFC10]  }
0x61: {  	[tilespmem:s22+$0xFFFFFC40] =	vst v7;
	v6 =	vld [tilespmem:s23+$0xFFFFFC20]  }
0x62: {  	[tilespmem:s22+$0xFFFFFC50] =	vst v1;
	v1 =	vld [tilespmem:s23+$0xFFFFFC30]  }
0x63: {  	[tilespmem:s22+$0xFFFFFC60] =	vst v2;
	v2 =	vld [tilespmem:s23+$0xFFFFFC40]  }
0x64: {  	[tilespmem:s22+$0xFFFFFC70] =	vst v3;
	v3 =	vld [tilespmem:s23+$0xFFFFFC50]  }
0x65: {  	[tilespmem:s22+$0xFFFFFE10] =	vst v5;
	v5 =	vld [tilespmem:s23+$0xFFFFFC60]  }
0x66: {  	[tilespmem:s22+$0xFFFFFE20] =	vst v4;
	v4 =	vld [tilespmem:s23+$0x0]  }
0x67: {  	[tilespmem:s22+$0xFFFFFE30] =	vst v6;
	v7 =	vld [tilespmem:s23+$0x10]  }
0x68: {  	[tilespmem:s22+$0xFFFFFE40] =	vst v1;
	v1 =	vld [tilespmem:s23+$0x20]  }
0x69: {  	[tilespmem:s22+$0xFFFFFE50] =	vst v2;
	v2 =	vld [tilespmem:s23+$0x30]  }
0x6a: {  	[tilespmem:s22+$0xFFFFFE60] =	vst v3;
	v3 =	vld [tilespmem:s23+$0x40]  }
0x6b: {  	[tilespmem:s22+$0xFFFFFE70] =	vst v5;
	v5 =	vld [tilespmem:s23+$0x50]  }
0x6c: {  	[tilespmem:s22+$0x10] =	vst v4;
	v6 =	vld [tilespmem:s23+$0x60]  }
.Ltmp3:
0x6d: {  	[tilespmem:s22+$0x20] =	vst v7;
	v4 =	vld [tilespmem:s23+$0x400];
	(pc) =	sbr.rel @p1 .LBB1_4-.Ltmp3, $4  }
0x6e: {  	[tilespmem:s22+$0x30] =	vst v1;
	v1 =	vld [tilespmem:s23+$0x410]  }
0x6f: {  	[tilespmem:s22+$0x40] =	vst v2;
	v2 =	vld [tilespmem:s23+$0x420]  }
0x70: {  	[tilespmem:s22+$0x50] =	vst v3;
	v3 =	vld [tilespmem:s23+$0x430]  }
0x71: {  	s24 =	sadd.s32 $0x80, s24;
	s26 =	sand.u32 $0x200, s25;
	[tilespmem:s22+$0x60] =	vst v5;
	v5 =	vld [tilespmem:s23+$0x440]  }
0x72: {  	[tilespmem:s22+$0x70] =	vst v6  }
0x73: {  	v30 =	vld [tilespmem:s23+$0x450];
	[tilespmem:s22+$0x210] =	vst v4  }
0x74: {  	v31 =	vld [tilespmem:s23+$0x460];
	s30 =	sadd.s32 $0x80, s23;
	[tilespmem:s22+$0x220] =	vst v1  }
0x75: {  	v35 =	vld [tilespmem:s30+$0xFFFFF7F0];
	[tilespmem:s22+$0x230] =	vst v2  }
0x76: {  	v36 =	vld [tilespmem:s30+$0xFFFFF800];
	[tilespmem:s22+$0x240] =	vst v3  }
0x77: {  	v37 =	vld [tilespmem:s30+$0xFFFFF810];
	[tilespmem:s22+$0x250] =	vst v5  }
0x78: {  	v38 =	vld [tilespmem:s30+$0xFFFFF820];
	[tilespmem:s22+$0x260] =	vst v30  }
0x79: {  	s31 =	sadd.s32 $0x800, s22;
	v39 =	vld [tilespmem:s30+$0xFFFFF830];
	[tilespmem:s22+$0x270] =	vst v31  }
0x7a: {  	v40 =	vld [tilespmem:s30+$0xFFFFF840];
	[tilespmem:s31+$0xFFFFFC00] =	vst v35  }
0x7b: {  	v41 =	vld [tilespmem:s30+$0xFFFFF850];
	[tilespmem:s31+$0xFFFFFC10] =	vst v36  }
0x7c: {  	v42 =	vld [tilespmem:s30+$0xFFFFF860];
	[tilespmem:s31+$0xFFFFFC20] =	vst v37  }
0x7d: {  	v43 =	vld [tilespmem:s30+$0xFFFFFC00];
	[tilespmem:s31+$0xFFFFFC30] =	vst v38  }
0x7e: {  	v44 =	vld [tilespmem:s30+$0xFFFFFC10];
	[tilespmem:s31+$0xFFFFFC40] =	vst v39  }
0x7f: {  	v45 =	vld [tilespmem:s30+$0xFFFFFC20];
	[tilespmem:s31+$0xFFFFFC50] =	vst v40  }
0x80: {  	v46 =	vld [tilespmem:s30+$0xFFFFFC30];
	[tilespmem:s31+$0xFFFFFC60] =	vst v41  }
0x81: {  	v47 =	vld [tilespmem:s30+$0xFFFFFC40];
	[tilespmem:s31+$0xFFFFFC70] =	vst v42  }
0x82: {  	v48 =	vld [tilespmem:s30+$0xFFFFFC50];
	[tilespmem:s31+$0xFFFFFE10] =	vst v43  }
0x83: {  	v49 =	vld [tilespmem:s30+$0xFFFFFC60];
	[tilespmem:s31+$0xFFFFFE20] =	vst v44  }
0x84: {  	v50 =	vld [tilespmem:s30+$0x0];
	[tilespmem:s31+$0xFFFFFE30] =	vst v45  }
0x85: {  	v51 =	vld [tilespmem:s30+$0x10];
	[tilespmem:s31+$0xFFFFFE40] =	vst v46  }
0x86: {  	v52 =	vld [tilespmem:s30+$0x20];
	[tilespmem:s31+$0xFFFFFE50] =	vst v47  }
0x87: {  	v53 =	vld [tilespmem:s30+$0x30];
	[tilespmem:s31+$0xFFFFFE60] =	vst v48  }
0x88: {  	v54 =	vld [tilespmem:s30+$0x40];
	[tilespmem:s31+$0xFFFFFE70] =	vst v49  }
0x89: {  	v55 =	vld [tilespmem:s30+$0x50];
	[tilespmem:s31+$0x10] =	vst v50  }
0x8a: {  	v56 =	vld [tilespmem:s30+$0x60];
	[tilespmem:s31+$0x20] =	vst v51  }
0x8b: {  	v57 =	vld [tilespmem:s30+$0x400];
	[tilespmem:s31+$0x30] =	vst v52  }
0x8c: {  	v58 =	vld [tilespmem:s30+$0x410];
	[tilespmem:s31+$0x40] =	vst v53  }
0x8d: {  	v59 =	vld [tilespmem:s30+$0x420];
	[tilespmem:s31+$0x50] =	vst v54  }
0x8e: {  	v60 =	vld [tilespmem:s30+$0x430];
	[tilespmem:s31+$0x60] =	vst v55  }
0x8f: {  	v61 =	vld [tilespmem:s30+$0x440];
	[tilespmem:s31+$0x70] =	vst v56  }
0x90: {  	s24 =	sand.u32 $0x180, s25;
	s29 =	sadd.s32 s26, s19;
	v62 =	vld [tilespmem:s30+$0x450];
	[tilespmem:s31+$0x210] =	vst v57  }
0x91: {  	s24 =	sadd.s32 s24, s29;
	v63 =	vld [tilespmem:s30+$0x460];
	[tilespmem:s31+$0x220] =	vst v58  }
0x92: {  	v32 =	vld.idx.msk [tilespmem:v0+s24+$0xC00 ss:$0x1], $0xffff;
	[tilespmem:s31+$0x230] =	vst v59  }
0x93: {  	s21 =	sadd.s32 $0x1, s21;
	v33 =	vld.idx.msk [tilespmem:v0+s24+$0x400 ss:$0x1], $0xffff;
	[tilespmem:s31+$0x240] =	vst v60  }
0x94: {  	p1 =	sne.s32 s21, $0x4;
	v34 =	vld.idx.msk [tilespmem:v0+s24+$0x800 ss:$0x1], $0xffff;
	[tilespmem:s31+$0x250] =	vst v61  }
.Ltmp4:
0x95: {  	[tilespmem:s31+$0x260] =	vst v62;
	(pc) =	sbr.rel @p1 .LBB1_3-.Ltmp4, $4  }
0x96: {  	[tilespmem:s31+$0x270] =	vst v63  }
0x97: {  	[tilespmem:s31+$0x200] =	vst v32  }
0x98: {  	[tilespmem:s31+$0xFFFFFE00] =	vst v33  }
0x99: {  	s17 =	sadd.s32 $0x80, s17;
	s18 =	sadd.s32 $0x1000, s18;
	[tilespmem:s31+$0x0] =	vst v34  }
0x9a: {  	s17 =	sshrl.u32 s15, $0x2  }
0x9b: {  	s18 =	sshll.u32 s14, $0x2;
	s25 =	sshll.u32 s15, $0x7;
	s17 =	smul.u32 $0x17800, s17  }
0x9c: {  	s26 =	sand.u32 $0x7F, s14;
	s18 =	sand.u32 $0xFFFFFE00, s18;
	s15 =	sand.u32 $0x180, s25  }
0x9d: {  	s14 =	sor.u32 s15, s26;
	s17 =	sadd.s32 s17, s18  }
0x9e: {  	s14 =	sor.u32 s17, s14;
	s17 =	smulhi.u32 $0xAE4C415D, s17  }
0x9f: {  	s27 =	smulhi.u32 $0xAE4C415D, s14;
	_ =	sdelay $0x1  }
0xa0: {  	s13 =	smul.u32 $0x2F00, s13;
	s17 =	sshrl.u32 s17, $0xE;
	s15 =	sshrl.u32 s27, $0xE  }
0xa1: {  	s17 =	sand.u32 $0x3, s17;
	s15 =	smul.u32 $0x5E00, s15  }
0xa2: {  	s28 =	smul.u32 $0xBC0, s17  }
.Ltmp5:
0xa3: {  	s14 =	ssub.s32 s14, s15;
	(pc) =	sbr.rel .LBB1_7-.Ltmp5, $4  }
0xa4: {  	s13 =	sadd.s32 s6, s13;
	s29 =	sand.u32 $0x7, s14  }
0xa5: {  	s13 =	sadd.s32 s28, s13;
	s14 =	sshrl.u32 s14, $0x3;
	s30 =	sshll.u32 s29, $0x12  }
0xa6: {  	s13 =	sadd.s32 s14, s13;
	s31 =	sor.u32 $0x800, s30  }
0xa7: {  	[hbm4b:s13+s31] =	stream.strided.scatter [tilespmem:s16], [sflag:$0x2], $0x4000, s8, s31, $0x38;
	[tilespmem:$0x10000] =	vst v63  }
.LBB1_8:
0xa8: {  	_ =	sfence.sel $0x180000  }
0xa9: {  	s2 =	simm.s32 $0x1;
	[bflag:$0x0] =	sbarrier.arrive $0xFFFF  }
0xaa: {  	s31 =	simm.s32 $0x2;
	[sflag:s2] =	ssyncpa.u1 $0x1  }
0xab: {  	[sflag:s31] =	ssyncpa.u1 $0x1  }
0xac: {  	p0 =	sne.s32 s0, $0x0;
	_ =	strace $0x9000004D  }
0xad: {  	s0 =	sadd.s32 @!p0 $0x100000, s1;
	[bflag:$0x2] =	sbarrier.arrive $0xFFFF  }
0xae: {  	[sflag:s0] =	ssyncadd.tile.s32 @!p0 $0x1;
	_ =	shalt  }
.Lfunc_end1:
_tile_overlayer_lowered:
.L_overlay_start_2:
0xaf: {  	(tag) =	ssettag $0x2  }
0xb0: {  	s0 =	rddreg [dreg:$0x0];
	s2 =	stileid.u32  }
0xb1: {  	s1 =	rddreg [dreg:$0x1];
	p0 =	sne.s32 s2, $0x0  }
0xb2: {  	s3 =	rddreg [dreg:$0x2];
	[bflag:$0x3] =	sbarrier.arrive $0xFFFF;
	s2 =	simm.s32 @!p0 $0x1C01  }
0xb3: {  	[timem:s3], [sflag:s2] =	dma.local @!p0 [hbm:s0], s1  }
0xb4: {  	s0 =	simm.s32 @!p0 $0x1  }
0xb5: {  	_ =	swait.ge @!p0 [sflag:s0], s1  }
0xb6: {  	s1 =	ssub.s32 @!p0 $0x0, s1;
	[sflag:s0] =	ssyncset.done @!p0 $0x0  }
0xb7: {  	[sflag:s0] =	ssyncadd.s32 @!p0 s1  }
0xb8: {  	[bflag:$0x3] =	sbarrier.arrive $0xFFFF  }
0xb9: {  	_ =	shalt  }

</sc_bundles>
